<compile_context>
chip_gen: v7x
topology: tpu7x:2x2x1
jax: 0.10.2.dev20260603
libtpu: 0.0.44.dev20260713+nightly
codegen_flags: <defaults>
</compile_context>

<pallas_src>
import functools

import jax
import jax.numpy as jnp
from jax import lax
from jax.experimental import pallas as pl
from jax.experimental.pallas import tpu as pltpu
from jax.experimental.pallas import tpu_sc as plsc

_LANES = 128
_D = 65
_DP = 128
_P1_CHUNK = 200
_P2_CHUNK = 128

_COL_OFFS = (0, 16, 32, 48, 49)


def _repack(dst, src, n_rows):
    unroll = 2
    assert n_rows % unroll == 0

    def rows(i, c):
        for u in range(unroll):
            r = i * unroll + u
            for j in _COL_OFFS:
                dst[r, pl.ds(j, 16)] = src[r, pl.ds(j, 16)]
        return c

    lax.fori_loop(0, n_rows // unroll, rows, 0)


@functools.cache
def _make_phase1(n_rows):
    info = plsc.get_sparse_core_info()
    nw = info.num_cores * info.num_subcores
    n_chunks = n_rows // _P1_CHUNK
    n_iters = -(-n_chunks // (2 * nw))
    mesh = plsc.VectorSubcoreMesh(core_axis_name="c", subcore_axis_name="s")

    @functools.partial(
        pl.kernel,
        mesh=mesh,
        out_type=jax.ShapeDtypeStruct((n_rows, _DP), jnp.float32),
        compiler_params=pltpu.CompilerParams(skip_device_barrier=True),
        scratch_types=[
            pltpu.VMEM((_P1_CHUNK, _D), jnp.float32),
            pltpu.VMEM((_P1_CHUNK, _D), jnp.float32),
            pltpu.VMEM((_P1_CHUNK, _DP), jnp.float32),
            pltpu.VMEM((_P1_CHUNK, _DP), jnp.float32),
            pltpu.SemaphoreType.DMA,
            pltpu.SemaphoreType.DMA,
            pltpu.SemaphoreType.DMA,
            pltpu.SemaphoreType.DMA,
        ],
    )
    def phase1(table_hbm, padded_hbm, b65_0, b65_1, b128_0, b128_1,
               si0, si1, so0, so1):
        wid = lax.axis_index("s") * info.num_cores + lax.axis_index("c")
        b65 = (b65_0, b65_1)
        b128 = (b128_0, b128_1)
        sin = (si0, si1)
        sout = (so0, so1)

        def in_start(s, g):
            pltpu.async_copy(
                table_hbm.at[pl.ds(g * _P1_CHUNK, _P1_CHUNK)], b65[s], sin[s])

        def in_wait(s):
            pltpu.make_async_copy(
                table_hbm.at[pl.ds(0, _P1_CHUNK)], b65[s], sin[s]).wait()

        def out_start(s, g):
            pltpu.async_copy(
                b128[s], padded_hbm.at[pl.ds(g * _P1_CHUNK, _P1_CHUNK)],
                sout[s])

        def out_wait(s):
            pltpu.make_async_copy(
                b128[s], padded_hbm.at[pl.ds(0, _P1_CHUNK)], sout[s]).wait()

        for s in range(2):
            g = wid + 32 * s

            @pl.when(g < n_chunks)
            def _(s=s, g=g):
                in_start(s, g)

        def body(t, carry):
            for s in range(2):
                g = wid + 64 * t + 32 * s

                @pl.when(g < n_chunks)
                def _(s=s, g=g):
                    in_wait(s)

                    @pl.when(t >= 1)
                    def _():
                        out_wait(s)

                    _repack(b128[s], b65[s], _P1_CHUNK)
                    out_start(s, g)

                    @pl.when(g + 64 < n_chunks)
                    def _():
                        in_start(s, g + 64)

            return carry

        lax.fori_loop(0, n_iters, body, 0)
        for s in range(2):
            out_wait(s)

    return phase1


@functools.cache
def _make_phase2(total, n_rows):
    info = plsc.get_sparse_core_info()
    nw = info.num_cores * info.num_subcores
    per_w = total // nw
    n_chunks = per_w // _P2_CHUNK
    mesh = plsc.VectorSubcoreMesh(core_axis_name="c", subcore_axis_name="s")

    @functools.partial(
        pl.kernel,
        mesh=mesh,
        out_type=jax.ShapeDtypeStruct((total, _D), jnp.float32),
        compiler_params=pltpu.CompilerParams(skip_device_barrier=True),
        scratch_types=[
            pltpu.VMEM((per_w,), jnp.int32),
            pltpu.VMEM((_P2_CHUNK, _DP), jnp.float32),
            pltpu.VMEM((_P2_CHUNK, _DP), jnp.float32),
            pltpu.VMEM((_P2_CHUNK, _D), jnp.float32),
            pltpu.VMEM((_P2_CHUNK, _D), jnp.float32),
            pltpu.SemaphoreType.DMA,
            pltpu.SemaphoreType.DMA,
            pltpu.SemaphoreType.DMA,
            pltpu.SemaphoreType.DMA,
        ],
    )
    def phase2(idx_hbm, padded_hbm, out_hbm, idx_v, r128_0, r128_1,
               r65_0, r65_1, sg0, sg1, so0, so1):
        wid = lax.axis_index("s") * info.num_cores + lax.axis_index("c")
        base = wid * per_w
        r128 = (r128_0, r128_1)
        r65 = (r65_0, r65_1)
        sg = (sg0, sg1)
        so = (so0, so1)

        pltpu.sync_copy(idx_hbm.at[pl.ds(base, per_w)], idx_v)

        def g_start(s, k):
            pltpu.async_copy(
                padded_hbm.at[idx_v.at[pl.ds(k * _P2_CHUNK, _P2_CHUNK)]],
                r128[s], sg[s])

        def g_wait(s):
            pltpu.make_async_copy(
                padded_hbm.at[pl.ds(0, _P2_CHUNK)], r128[s], sg[s]).wait()

        def o_start(s, k):
            pltpu.async_copy(
                r65[s],
                out_hbm.at[pl.ds(base + k * _P2_CHUNK, _P2_CHUNK)], so[s])

        def o_wait(s):
            pltpu.make_async_copy(
                r65[s], out_hbm.at[pl.ds(0, _P2_CHUNK)], so[s]).wait()

        for s in range(2):
            g_start(s, s)

        def body(t, carry):
            for s in range(2):
                k = 2 * t + s
                g_wait(s)

                @pl.when(t >= 1)
                def _(s=s):
                    o_wait(s)

                _repack(r65[s], r128[s], _P2_CHUNK)
                o_start(s, k)

                @pl.when(k + 2 < n_chunks)
                def _(s=s, k=k):
                    g_start(s, k + 2)

            return carry

        lax.fori_loop(0, n_chunks // 2, body, 0)
        for s in range(2):
            o_wait(s)

    return phase2


def kernel(x, table):
    b, h = x.shape
    total = b * h
    n_rows = table.shape[0]
    idx = jnp.maximum(x.reshape(-1).astype(jnp.int32), 0)
    padded = _make_phase1(n_rows)(table)
    out = _make_phase2(total, n_rows)(idx, padded)
    return out.reshape(b, h, table.shape[1])

# --- scband reference (transcript-rebuilt; emitter-appended) ---
"""Pipeline reference for scband-model-38173669327547 (READ-ONLY COPY).

The authoritative reference and input builder live on the scoring server;
editing this copy changes nothing except your own understanding.
"""

import jax, jax.numpy as jnp
import numpy as np

N_WORDS = 1000000
LATENT_DIM = 64
INITIAL_SIGMA = 0.001
BATCH = 4096
HIST = 200


def _build_table(key):
    # mimic: uniform init in [-sigma, sigma], pad time coord with 0, Lorentz expmap0
    u = jax.random.uniform(key, (N_WORDS, LATENT_DIM), minval=-INITIAL_SIGMA,
                           maxval=INITIAL_SIGMA, dtype=jnp.float32)
    # tangent vector at origin has zero time component; Lorentz norm == Euclidean norm of spatial part
    norm = jnp.linalg.norm(u, axis=-1, keepdims=True)
    norm_safe = jnp.where(norm == 0.0, 1.0, norm)
    spatial = jnp.sinh(norm) / norm_safe * u
    time = jnp.cosh(norm)
    return jnp.concatenate([time, spatial], axis=-1)  # [N_WORDS, LATENT_DIM + 1]


def setup_inputs(seed: int = 0) -> dict:
    key = jax.random.key(seed)
    k_tab, k_idx = jax.random.split(key)
    table = _build_table(k_tab)
    x = jax.random.randint(k_idx, (BATCH, HIST), 0, N_WORDS)
    return {"x": x, "table": table}


def reference(x, table):
    # forward: embedding lookup
    return jnp.take(table, x, axis=0)

if __name__ == "__main__":
    import jax
    _d = setup_inputs()
    print(jax.jit(kernel)(*tuple(_d.values())))

</pallas_src>

<mosaic_0001>
#map = affine_map<(d0, d1) -> (0, 0)>
module attributes {stable_mosaic.version = 14 : i64} {
  func.func @phase1(%arg0: i32, %arg1: i32, %arg2: memref<1000000x65xf32, #tpu.memory_space<hbm>>, %arg3: memref<1000000x128xf32, #tpu.memory_space<hbm>>, %arg4: memref<200x65xf32, #tpu.memory_space<vmem>>, %arg5: memref<200x65xf32, #tpu.memory_space<vmem>>, %arg6: memref<200x128xf32, #tpu.memory_space<vmem>>, %arg7: memref<200x128xf32, #tpu.memory_space<vmem>>, %arg8: memref<!tpu.dma_semaphore, #tpu.memory_space<semaphore_mem>>, %arg9: memref<!tpu.dma_semaphore, #tpu.memory_space<semaphore_mem>>, %arg10: memref<!tpu.dma_semaphore, #tpu.memory_space<semaphore_mem>>, %arg11: memref<!tpu.dma_semaphore, #tpu.memory_space<semaphore_mem>>) attributes {dimension_semantics = [#tpu.dimension_semantics<core_parallel>, #tpu.dimension_semantics<subcore_parallel>], iteration_bounds = array<i64: 2, 16>, scalar_prefetch = 0 : i64, scratch_operands = 8 : i64, tpu.core_type = #tpu.core_type<sc_vector_subcore>, window_params = [{transform_indices = #map}, {transform_indices = #map}]} {
    %mul3A = arith.constant 2 : i32
    %mul3A_0 = arith.muli %arg1, %mul3A : i32
    %add3A = arith.addi %mul3A_0, %arg0 : i32
    %add3A_1 = arith.constant 0 : i32
    %add3A_2 = arith.addi %add3A, %add3A_1 : i32
    %lt3A = arith.constant 5000 : i32
    %lt3A_3 = arith.cmpi slt, %add3A_2, %lt3A : i32
    %convert_element_type3A = arith.extui %lt3A_3 : i1 to i32
    %cond3A = arith.constant 0 : i32
    %cond3A_4 = arith.cmpi ne, %convert_element_type3A, %cond3A : i32
    scf.if %cond3A_4 {
      %mul3A_28 = arith.constant 200 : i32
      %mul3A_29 = arith.muli %add3A_2, %mul3A_28 : i32
      %dma_start3A = arith.constant 0 : i32
      %dma_start3A_30 = tpu.memref_slice %arg2[%mul3A_29, %dma_start3A] : memref<1000000x65xf32, #tpu.memory_space<hbm>> -> memref<200x65xf32, #tpu.memory_space<hbm>>
      %dma_start3A_31 = arith.constant 0 : i32
      %dma_start3A_32 = tpu.memref_slice %arg2[%mul3A_29, %dma_start3A_31] : memref<1000000x65xf32, #tpu.memory_space<hbm>> -> memref<200x65xf32, #tpu.memory_space<hbm>>
      tpu.enqueue_dma source(%dma_start3A_32 : memref<200x65xf32, #tpu.memory_space<hbm>>) target(%arg4 : memref<200x65xf32, #tpu.memory_space<vmem>>) target_semaphore(%arg8 : memref<!tpu.dma_semaphore, #tpu.memory_space<semaphore_mem>>)
    } else {
    }
    %add3A_5 = arith.constant 32 : i32
    %add3A_6 = arith.addi %add3A, %add3A_5 : i32
    %lt3A_7 = arith.constant 5000 : i32
    %lt3A_8 = arith.cmpi slt, %add3A_6, %lt3A_7 : i32
    %convert_element_type3A_9 = arith.extui %lt3A_8 : i1 to i32
    %cond3A_10 = arith.constant 0 : i32
    %cond3A_11 = arith.cmpi ne, %convert_element_type3A_9, %cond3A_10 : i32
    scf.if %cond3A_11 {
      %mul3A_28 = arith.constant 200 : i32
      %mul3A_29 = arith.muli %add3A_6, %mul3A_28 : i32
      %dma_start3A = arith.constant 0 : i32
      %dma_start3A_30 = tpu.memref_slice %arg2[%mul3A_29, %dma_start3A] : memref<1000000x65xf32, #tpu.memory_space<hbm>> -> memref<200x65xf32, #tpu.memory_space<hbm>>
      %dma_start3A_31 = arith.constant 0 : i32
      %dma_start3A_32 = tpu.memref_slice %arg2[%mul3A_29, %dma_start3A_31] : memref<1000000x65xf32, #tpu.memory_space<hbm>> -> memref<200x65xf32, #tpu.memory_space<hbm>>
      tpu.enqueue_dma source(%dma_start3A_32 : memref<200x65xf32, #tpu.memory_space<hbm>>) target(%arg5 : memref<200x65xf32, #tpu.memory_space<vmem>>) target_semaphore(%arg9 : memref<!tpu.dma_semaphore, #tpu.memory_space<semaphore_mem>>)
    } else {
    }
    %scan3A = arith.constant 0 : i32
    %scan3A_12 = arith.constant 0 : i32
    %scan3A_13 = arith.constant 79 : i32
    %scan3A_14 = arith.addi %scan3A_12, %scan3A_13 : i32
    %scan3A_15 = arith.constant 1 : i32
    scf.for %scan3A_28 = %scan3A_12 to %scan3A_14 step %scan3A_15  : i32 {
      %mul3A_29 = arith.constant 64 : i32
      %mul3A_30 = arith.muli %mul3A_29, %scan3A_28 : i32
      %add3A_31 = arith.addi %add3A, %mul3A_30 : i32
      %add3A_32 = arith.constant 0 : i32
      %add3A_33 = arith.addi %add3A_31, %add3A_32 : i32
      %lt3A_34 = arith.constant 5000 : i32
      %lt3A_35 = arith.cmpi slt, %add3A_33, %lt3A_34 : i32
      %convert_element_type3A_36 = arith.extui %lt3A_35 : i1 to i32
      %cond3A_37 = arith.constant 0 : i32
      %cond3A_38 = arith.cmpi ne, %convert_element_type3A_36, %cond3A_37 : i32
      scf.if %cond3A_38 {
        %dma_wait3A_49 = arith.constant 0 : i32
        %dma_wait3A_50 = arith.constant 0 : i32
        %dma_wait3A_51 = tpu.memref_slice %arg2[%dma_wait3A_49, %dma_wait3A_50] : memref<1000000x65xf32, #tpu.memory_space<hbm>> -> memref<200x65xf32, #tpu.memory_space<hbm>>
        %dma_wait3A_52 = arith.constant 0 : i32
        %dma_wait3A_53 = arith.constant 0 : i32
        %dma_wait3A_54 = tpu.memref_slice %arg2[%dma_wait3A_52, %dma_wait3A_53] : memref<1000000x65xf32, #tpu.memory_space<hbm>> -> memref<200x65xf32, #tpu.memory_space<hbm>>
        tpu.wait_dma2 semaphore(%arg8 : memref<!tpu.dma_semaphore, #tpu.memory_space<semaphore_mem>>) src(%dma_wait3A_54 : memref<200x65xf32, #tpu.memory_space<hbm>>) dst(%arg4 : memref<200x65xf32, #tpu.memory_space<vmem>>)
        %ge3A = arith.constant 1 : i32
        %ge3A_55 = arith.cmpi sge, %scan3A_28, %ge3A : i32
        %convert_element_type3A_56 = arith.extui %ge3A_55 : i1 to i32
        %cond3A_57 = arith.constant 0 : i32
        %cond3A_58 = arith.cmpi ne, %convert_element_type3A_56, %cond3A_57 : i32
        scf.if %cond3A_58 {
          %dma_wait3A_77 = arith.constant 0 : i32
          %dma_wait3A_78 = arith.constant 0 : i32
          %dma_wait3A_79 = tpu.memref_slice %arg3[%dma_wait3A_77, %dma_wait3A_78] : memref<1000000x128xf32, #tpu.memory_space<hbm>> -> memref<200x128xf32, #tpu.memory_space<hbm>>
          %dma_wait3A_80 = arith.constant 0 : i32
          %dma_wait3A_81 = arith.constant 0 : i32
          %dma_wait3A_82 = tpu.memref_slice %arg3[%dma_wait3A_80, %dma_wait3A_81] : memref<1000000x128xf32, #tpu.memory_space<hbm>> -> memref<200x128xf32, #tpu.memory_space<hbm>>
          tpu.wait_dma2 semaphore(%arg10 : memref<!tpu.dma_semaphore, #tpu.memory_space<semaphore_mem>>) src(%arg6 : memref<200x128xf32, #tpu.memory_space<vmem>>) dst(%dma_wait3A_82 : memref<200x128xf32, #tpu.memory_space<hbm>>)
        } else {
        }
        %scan3A_59 = arith.constant 0 : i32
        %scan3A_60 = arith.constant 0 : i32
        %scan3A_61 = arith.constant 100 : i32
        %scan3A_62 = arith.addi %scan3A_60, %scan3A_61 : i32
        %scan3A_63 = arith.constant 1 : i32
        scf.for %scan3A_77 = %scan3A_60 to %scan3A_62 step %scan3A_63  : i32 {
          %mul3A_78 = arith.constant 2 : i32
          %mul3A_79 = arith.muli %scan3A_77, %mul3A_78 : i32
          %add3A_80 = arith.constant 0 : i32
          %add3A_81 = arith.addi %mul3A_79, %add3A_80 : i32
          %get3A = arith.index_cast %add3A_81 : i32 to index
          %get3A_82 = arith.constant 0 : index
          %get3A_83 = tpu.vector_load %arg4[%get3A, %get3A_82] {strides = array<i32>} : memref<200x65xf32, #tpu.memory_space<vmem>>, vector<1x16xf32>,
          %get3A_84 = vector.shape_cast %get3A_83 : vector<1x16xf32> to vector<16xf32>
          %swap3A = arith.index_cast %add3A_81 : i32 to index
          %swap3A_85 = arith.constant 0 : index
          %swap3A_86 = tpu.vector_load %arg6[%swap3A, %swap3A_85] {strides = array<i32>} : memref<200x128xf32, #tpu.memory_space<vmem>>, vector<1x16xf32>,
          %swap3A_87 = vector.shape_cast %swap3A_86 : vector<1x16xf32> to vector<16xf32>
          %swap3A_88 = vector.shape_cast %get3A_84 : vector<16xf32> to vector<1x16xf32>
          tpu.vector_store %arg6[%swap3A, %swap3A_85], %swap3A_88 {strides = array<i32>} : memref<200x128xf32, #tpu.memory_space<vmem>>, vector<1x16xf32>,
          %get3A_89 = arith.index_cast %add3A_81 : i32 to index
          %get3A_90 = arith.constant 16 : index
          %get3A_91 = tpu.vector_load %arg4[%get3A_89, %get3A_90] {strides = array<i32>} : memref<200x65xf32, #tpu.memory_space<vmem>>, vector<1x16xf32>,
          %get3A_92 = vector.shape_cast %get3A_91 : vector<1x16xf32> to vector<16xf32>
          %swap3A_93 = arith.index_cast %add3A_81 : i32 to index
          %swap3A_94 = arith.constant 16 : index
          %swap3A_95 = tpu.vector_load %arg6[%swap3A_93, %swap3A_94] {strides = array<i32>} : memref<200x128xf32, #tpu.memory_space<vmem>>, vector<1x16xf32>,
          %swap3A_96 = vector.shape_cast %swap3A_95 : vector<1x16xf32> to vector<16xf32>
          %swap3A_97 = vector.shape_cast %get3A_92 : vector<16xf32> to vector<1x16xf32>
          tpu.vector_store %arg6[%swap3A_93, %swap3A_94], %swap3A_97 {strides = array<i32>} : memref<200x128xf32, #tpu.memory_space<vmem>>, vector<1x16xf32>,
          %get3A_98 = arith.index_cast %add3A_81 : i32 to index
          %get3A_99 = arith.constant 32 : index
          %get3A_100 = tpu.vector_load %arg4[%get3A_98, %get3A_99] {strides = array<i32>} : memref<200x65xf32, #tpu.memory_space<vmem>>, vector<1x16xf32>,
          %get3A_101 = vector.shape_cast %get3A_100 : vector<1x16xf32> to vector<16xf32>
          %swap3A_102 = arith.index_cast %add3A_81 : i32 to index
          %swap3A_103 = arith.constant 32 : index
          %swap3A_104 = tpu.vector_load %arg6[%swap3A_102, %swap3A_103] {strides = array<i32>} : memref<200x128xf32, #tpu.memory_space<vmem>>, vector<1x16xf32>,
          %swap3A_105 = vector.shape_cast %swap3A_104 : vector<1x16xf32> to vector<16xf32>
          %swap3A_106 = vector.shape_cast %get3A_101 : vector<16xf32> to vector<1x16xf32>
          tpu.vector_store %arg6[%swap3A_102, %swap3A_103], %swap3A_106 {strides = array<i32>} : memref<200x128xf32, #tpu.memory_space<vmem>>, vector<1x16xf32>,
          %get3A_107 = arith.index_cast %add3A_81 : i32 to index
          %get3A_108 = arith.constant 48 : index
          %get3A_109 = tpu.vector_load %arg4[%get3A_107, %get3A_108] {strides = array<i32>} : memref<200x65xf32, #tpu.memory_space<vmem>>, vector<1x16xf32>,
          %get3A_110 = vector.shape_cast %get3A_109 : vector<1x16xf32> to vector<16xf32>
          %swap3A_111 = arith.index_cast %add3A_81 : i32 to index
          %swap3A_112 = arith.constant 48 : index
          %swap3A_113 = tpu.vector_load %arg6[%swap3A_111, %swap3A_112] {strides = array<i32>} : memref<200x128xf32, #tpu.memory_space<vmem>>, vector<1x16xf32>,
          %swap3A_114 = vector.shape_cast %swap3A_113 : vector<1x16xf32> to vector<16xf32>
          %swap3A_115 = vector.shape_cast %get3A_110 : vector<16xf32> to vector<1x16xf32>
          tpu.vector_store %arg6[%swap3A_111, %swap3A_112], %swap3A_115 {strides = array<i32>} : memref<200x128xf32, #tpu.memory_space<vmem>>, vector<1x16xf32>,
          %get3A_116 = arith.index_cast %add3A_81 : i32 to index
          %get3A_117 = arith.constant 49 : index
          %get3A_118 = tpu.vector_load %arg4[%get3A_116, %get3A_117] {strides = array<i32>} : memref<200x65xf32, #tpu.memory_space<vmem>>, vector<1x16xf32>,
          %get3A_119 = vector.shape_cast %get3A_118 : vector<1x16xf32> to vector<16xf32>
          %swap3A_120 = arith.index_cast %add3A_81 : i32 to index
          %swap3A_121 = arith.constant 49 : index
          %swap3A_122 = tpu.vector_load %arg6[%swap3A_120, %swap3A_121] {strides = array<i32>} : memref<200x128xf32, #tpu.memory_space<vmem>>, vector<1x16xf32>,
          %swap3A_123 = vector.shape_cast %swap3A_122 : vector<1x16xf32> to vector<16xf32>
          %swap3A_124 = vector.shape_cast %get3A_119 : vector<16xf32> to vector<1x16xf32>
          tpu.vector_store %arg6[%swap3A_120, %swap3A_121], %swap3A_124 {strides = array<i32>} : memref<200x128xf32, #tpu.memory_space<vmem>>, vector<1x16xf32>,
          %mul3A_125 = arith.constant 2 : i32
          %mul3A_126 = arith.muli %scan3A_77, %mul3A_125 : i32
          %add3A_127 = arith.constant 1 : i32
          %add3A_128 = arith.addi %mul3A_126, %add3A_127 : i32
          %get3A_129 = arith.index_cast %add3A_128 : i32 to index
          %get3A_130 = arith.constant 0 : index
          %get3A_131 = tpu.vector_load %arg4[%get3A_129, %get3A_130] {strides = array<i32>} : memref<200x65xf32, #tpu.memory_space<vmem>>, vector<1x16xf32>,
          %get3A_132 = vector.shape_cast %get3A_131 : vector<1x16xf32> to vector<16xf32>
          %swap3A_133 = arith.index_cast %add3A_128 : i32 to index
          %swap3A_134 = arith.constant 0 : index
          %swap3A_135 = tpu.vector_load %arg6[%swap3A_133, %swap3A_134] {strides = array<i32>} : memref<200x128xf32, #tpu.memory_space<vmem>>, vector<1x16xf32>,
          %swap3A_136 = vector.shape_cast %swap3A_135 : vector<1x16xf32> to vector<16xf32>
          %swap3A_137 = vector.shape_cast %get3A_132 : vector<16xf32> to vector<1x16xf32>
          tpu.vector_store %arg6[%swap3A_133, %swap3A_134], %swap3A_137 {strides = array<i32>} : memref<200x128xf32, #tpu.memory_space<vmem>>, vector<1x16xf32>,
          %get3A_138 = arith.index_cast %add3A_128 : i32 to index
          %get3A_139 = arith.constant 16 : index
          %get3A_140 = tpu.vector_load %arg4[%get3A_138, %get3A_139] {strides = array<i32>} : memref<200x65xf32, #tpu.memory_space<vmem>>, vector<1x16xf32>,
          %get3A_141 = vector.shape_cast %get3A_140 : vector<1x16xf32> to vector<16xf32>
          %swap3A_142 = arith.index_cast %add3A_128 : i32 to index
          %swap3A_143 = arith.constant 16 : index
          %swap3A_144 = tpu.vector_load %arg6[%swap3A_142, %swap3A_143] {strides = array<i32>} : memref<200x128xf32, #tpu.memory_space<vmem>>, vector<1x16xf32>,
          %swap3A_145 = vector.shape_cast %swap3A_144 : vector<1x16xf32> to vector<16xf32>
          %swap3A_146 = vector.shape_cast %get3A_141 : vector<16xf32> to vector<1x16xf32>
          tpu.vector_store %arg6[%swap3A_142, %swap3A_143], %swap3A_146 {strides = array<i32>} : memref<200x128xf32, #tpu.memory_space<vmem>>, vector<1x16xf32>,
          %get3A_147 = arith.index_cast %add3A_128 : i32 to index
          %get3A_148 = arith.constant 32 : index
          %get3A_149 = tpu.vector_load %arg4[%get3A_147, %get3A_148] {strides = array<i32>} : memref<200x65xf32, #tpu.memory_space<vmem>>, vector<1x16xf32>,
          %get3A_150 = vector.shape_cast %get3A_149 : vector<1x16xf32> to vector<16xf32>
          %swap3A_151 = arith.index_cast %add3A_128 : i32 to index
          %swap3A_152 = arith.constant 32 : index
          %swap3A_153 = tpu.vector_load %arg6[%swap3A_151, %swap3A_152] {strides = array<i32>} : memref<200x128xf32, #tpu.memory_space<vmem>>, vector<1x16xf32>,
          %swap3A_154 = vector.shape_cast %swap3A_153 : vector<1x16xf32> to vector<16xf32>
          %swap3A_155 = vector.shape_cast %get3A_150 : vector<16xf32> to vector<1x16xf32>
          tpu.vector_store %arg6[%swap3A_151, %swap3A_152], %swap3A_155 {strides = array<i32>} : memref<200x128xf32, #tpu.memory_space<vmem>>, vector<1x16xf32>,
          %get3A_156 = arith.index_cast %add3A_128 : i32 to index
          %get3A_157 = arith.constant 48 : index
          %get3A_158 = tpu.vector_load %arg4[%get3A_156, %get3A_157] {strides = array<i32>} : memref<200x65xf32, #tpu.memory_space<vmem>>, vector<1x16xf32>,
          %get3A_159 = vector.shape_cast %get3A_158 : vector<1x16xf32> to vector<16xf32>
          %swap3A_160 = arith.index_cast %add3A_128 : i32 to index
          %swap3A_161 = arith.constant 48 : index
          %swap3A_162 = tpu.vector_load %arg6[%swap3A_160, %swap3A_161] {strides = array<i32>} : memref<200x128xf32, #tpu.memory_space<vmem>>, vector<1x16xf32>,
          %swap3A_163 = vector.shape_cast %swap3A_162 : vector<1x16xf32> to vector<16xf32>
          %swap3A_164 = vector.shape_cast %get3A_159 : vector<16xf32> to vector<1x16xf32>
          tpu.vector_store %arg6[%swap3A_160, %swap3A_161], %swap3A_164 {strides = array<i32>} : memref<200x128xf32, #tpu.memory_space<vmem>>, vector<1x16xf32>,
          %get3A_165 = arith.index_cast %add3A_128 : i32 to index
          %get3A_166 = arith.constant 49 : index
          %get3A_167 = tpu.vector_load %arg4[%get3A_165, %get3A_166] {strides = array<i32>} : memref<200x65xf32, #tpu.memory_space<vmem>>, vector<1x16xf32>,
          %get3A_168 = vector.shape_cast %get3A_167 : vector<1x16xf32> to vector<16xf32>
          %swap3A_169 = arith.index_cast %add3A_128 : i32 to index
          %swap3A_170 = arith.constant 49 : index
          %swap3A_171 = tpu.vector_load %arg6[%swap3A_169, %swap3A_170] {strides = array<i32>} : memref<200x128xf32, #tpu.memory_space<vmem>>, vector<1x16xf32>,
          %swap3A_172 = vector.shape_cast %swap3A_171 : vector<1x16xf32> to vector<16xf32>
          %swap3A_173 = vector.shape_cast %get3A_168 : vector<16xf32> to vector<1x16xf32>
          tpu.vector_store %arg6[%swap3A_169, %swap3A_170], %swap3A_173 {strides = array<i32>} : memref<200x128xf32, #tpu.memory_space<vmem>>, vector<1x16xf32>,
        }
        %scan3A_64 = arith.constant 100 : i32
        %mul3A_65 = arith.constant 200 : i32
        %mul3A_66 = arith.muli %add3A_33, %mul3A_65 : i32
        %dma_start3A = arith.constant 0 : i32
        %dma_start3A_67 = tpu.memref_slice %arg3[%mul3A_66, %dma_start3A] : memref<1000000x128xf32, #tpu.memory_space<hbm>> -> memref<200x128xf32, #tpu.memory_space<hbm>>
        %dma_start3A_68 = arith.constant 0 : i32
        %dma_start3A_69 = tpu.memref_slice %arg3[%mul3A_66, %dma_start3A_68] : memref<1000000x128xf32, #tpu.memory_space<hbm>> -> memref<200x128xf32, #tpu.memory_space<hbm>>
        tpu.enqueue_dma source(%arg6 : memref<200x128xf32, #tpu.memory_space<vmem>>) target(%dma_start3A_69 : memref<200x128xf32, #tpu.memory_space<hbm>>) target_semaphore(%arg10 : memref<!tpu.dma_semaphore, #tpu.memory_space<semaphore_mem>>)
        %add3A_70 = arith.constant 64 : i32
        %add3A_71 = arith.addi %add3A_33, %add3A_70 : i32
        %lt3A_72 = arith.constant 5000 : i32
        %lt3A_73 = arith.cmpi slt, %add3A_71, %lt3A_72 : i32
        %convert_element_type3A_74 = arith.extui %lt3A_73 : i1 to i32
        %cond3A_75 = arith.constant 0 : i32
        %cond3A_76 = arith.cmpi ne, %convert_element_type3A_74, %cond3A_75 : i32
        scf.if %cond3A_76 {
          %add3A_77 = arith.constant 64 : i32
          %add3A_78 = arith.addi %add3A_33, %add3A_77 : i32
          %mul3A_79 = arith.constant 200 : i32
          %mul3A_80 = arith.muli %add3A_78, %mul3A_79 : i32
          %dma_start3A_81 = arith.constant 0 : i32
          %dma_start3A_82 = tpu.memref_slice %arg2[%mul3A_80, %dma_start3A_81] : memref<1000000x65xf32, #tpu.memory_space<hbm>> -> memref<200x65xf32, #tpu.memory_space<hbm>>
          %dma_start3A_83 = arith.constant 0 : i32
          %dma_start3A_84 = tpu.memref_slice %arg2[%mul3A_80, %dma_start3A_83] : memref<1000000x65xf32, #tpu.memory_space<hbm>> -> memref<200x65xf32, #tpu.memory_space<hbm>>
          tpu.enqueue_dma source(%dma_start3A_84 : memref<200x65xf32, #tpu.memory_space<hbm>>) target(%arg4 : memref<200x65xf32, #tpu.memory_space<vmem>>) target_semaphore(%arg8 : memref<!tpu.dma_semaphore, #tpu.memory_space<semaphore_mem>>)
        } else {
        }
      } else {
      }
      %mul3A_39 = arith.constant 64 : i32
      %mul3A_40 = arith.muli %mul3A_39, %scan3A_28 : i32
      %add3A_41 = arith.addi %add3A, %mul3A_40 : i32
      %add3A_42 = arith.constant 32 : i32
      %add3A_43 = arith.addi %add3A_41, %add3A_42 : i32
      %lt3A_44 = arith.constant 5000 : i32
      %lt3A_45 = arith.cmpi slt, %add3A_43, %lt3A_44 : i32
      %convert_element_type3A_46 = arith.extui %lt3A_45 : i1 to i32
      %cond3A_47 = arith.constant 0 : i32
      %cond3A_48 = arith.cmpi ne, %convert_element_type3A_46, %cond3A_47 : i32
      scf.if %cond3A_48 {
        %dma_wait3A_49 = arith.constant 0 : i32
        %dma_wait3A_50 = arith.constant 0 : i32
        %dma_wait3A_51 = tpu.memref_slice %arg2[%dma_wait3A_49, %dma_wait3A_50] : memref<1000000x65xf32, #tpu.memory_space<hbm>> -> memref<200x65xf32, #tpu.memory_space<hbm>>
        %dma_wait3A_52 = arith.constant 0 : i32
        %dma_wait3A_53 = arith.constant 0 : i32
        %dma_wait3A_54 = tpu.memref_slice %arg2[%dma_wait3A_52, %dma_wait3A_53] : memref<1000000x65xf32, #tpu.memory_space<hbm>> -> memref<200x65xf32, #tpu.memory_space<hbm>>
        tpu.wait_dma2 semaphore(%arg9 : memref<!tpu.dma_semaphore, #tpu.memory_space<semaphore_mem>>) src(%dma_wait3A_54 : memref<200x65xf32, #tpu.memory_space<hbm>>) dst(%arg5 : memref<200x65xf32, #tpu.memory_space<vmem>>)
        %ge3A = arith.constant 1 : i32
        %ge3A_55 = arith.cmpi sge, %scan3A_28, %ge3A : i32
        %convert_element_type3A_56 = arith.extui %ge3A_55 : i1 to i32
        %cond3A_57 = arith.constant 0 : i32
        %cond3A_58 = arith.cmpi ne, %convert_element_type3A_56, %cond3A_57 : i32
        scf.if %cond3A_58 {
          %dma_wait3A_77 = arith.constant 0 : i32
          %dma_wait3A_78 = arith.constant 0 : i32
          %dma_wait3A_79 = tpu.memref_slice %arg3[%dma_wait3A_77, %dma_wait3A_78] : memref<1000000x128xf32, #tpu.memory_space<hbm>> -> memref<200x128xf32, #tpu.memory_space<hbm>>
          %dma_wait3A_80 = arith.constant 0 : i32
          %dma_wait3A_81 = arith.constant 0 : i32
          %dma_wait3A_82 = tpu.memref_slice %arg3[%dma_wait3A_80, %dma_wait3A_81] : memref<1000000x128xf32, #tpu.memory_space<hbm>> -> memref<200x128xf32, #tpu.memory_space<hbm>>
          tpu.wait_dma2 semaphore(%arg11 : memref<!tpu.dma_semaphore, #tpu.memory_space<semaphore_mem>>) src(%arg7 : memref<200x128xf32, #tpu.memory_space<vmem>>) dst(%dma_wait3A_82 : memref<200x128xf32, #tpu.memory_space<hbm>>)
        } else {
        }
        %scan3A_59 = arith.constant 0 : i32
        %scan3A_60 = arith.constant 0 : i32
        %scan3A_61 = arith.constant 100 : i32
        %scan3A_62 = arith.addi %scan3A_60, %scan3A_61 : i32
        %scan3A_63 = arith.constant 1 : i32
        scf.for %scan3A_77 = %scan3A_60 to %scan3A_62 step %scan3A_63  : i32 {
          %mul3A_78 = arith.constant 2 : i32
          %mul3A_79 = arith.muli %scan3A_77, %mul3A_78 : i32
          %add3A_80 = arith.constant 0 : i32
          %add3A_81 = arith.addi %mul3A_79, %add3A_80 : i32
          %get3A = arith.index_cast %add3A_81 : i32 to index
          %get3A_82 = arith.constant 0 : index
          %get3A_83 = tpu.vector_load %arg5[%get3A, %get3A_82] {strides = array<i32>} : memref<200x65xf32, #tpu.memory_space<vmem>>, vector<1x16xf32>,
          %get3A_84 = vector.shape_cast %get3A_83 : vector<1x16xf32> to vector<16xf32>
          %swap3A = arith.index_cast %add3A_81 : i32 to index
          %swap3A_85 = arith.constant 0 : index
          %swap3A_86 = tpu.vector_load %arg7[%swap3A, %swap3A_85] {strides = array<i32>} : memref<200x128xf32, #tpu.memory_space<vmem>>, vector<1x16xf32>,
          %swap3A_87 = vector.shape_cast %swap3A_86 : vector<1x16xf32> to vector<16xf32>
          %swap3A_88 = vector.shape_cast %get3A_84 : vector<16xf32> to vector<1x16xf32>
          tpu.vector_store %arg7[%swap3A, %swap3A_85], %swap3A_88 {strides = array<i32>} : memref<200x128xf32, #tpu.memory_space<vmem>>, vector<1x16xf32>,
          %get3A_89 = arith.index_cast %add3A_81 : i32 to index
          %get3A_90 = arith.constant 16 : index
          %get3A_91 = tpu.vector_load %arg5[%get3A_89, %get3A_90] {strides = array<i32>} : memref<200x65xf32, #tpu.memory_space<vmem>>, vector<1x16xf32>,
          %get3A_92 = vector.shape_cast %get3A_91 : vector<1x16xf32> to vector<16xf32>
          %swap3A_93 = arith.index_cast %add3A_81 : i32 to index
          %swap3A_94 = arith.constant 16 : index
          %swap3A_95 = tpu.vector_load %arg7[%swap3A_93, %swap3A_94] {strides = array<i32>} : memref<200x128xf32, #tpu.memory_space<vmem>>, vector<1x16xf32>,
          %swap3A_96 = vector.shape_cast %swap3A_95 : vector<1x16xf32> to vector<16xf32>
          %swap3A_97 = vector.shape_cast %get3A_92 : vector<16xf32> to vector<1x16xf32>
          tpu.vector_store %arg7[%swap3A_93, %swap3A_94], %swap3A_97 {strides = array<i32>} : memref<200x128xf32, #tpu.memory_space<vmem>>, vector<1x16xf32>,
          %get3A_98 = arith.index_cast %add3A_81 : i32 to index
          %get3A_99 = arith.constant 32 : index
          %get3A_100 = tpu.vector_load %arg5[%get3A_98, %get3A_99] {strides = array<i32>} : memref<200x65xf32, #tpu.memory_space<vmem>>, vector<1x16xf32>,
          %get3A_101 = vector.shape_cast %get3A_100 : vector<1x16xf32> to vector<16xf32>
          %swap3A_102 = arith.index_cast %add3A_81 : i32 to index
          %swap3A_103 = arith.constant 32 : index
          %swap3A_104 = tpu.vector_load %arg7[%swap3A_102, %swap3A_103] {strides = array<i32>} : memref<200x128xf32, #tpu.memory_space<vmem>>, vector<1x16xf32>,
          %swap3A_105 = vector.shape_cast %swap3A_104 : vector<1x16xf32> to vector<16xf32>
          %swap3A_106 = vector.shape_cast %get3A_101 : vector<16xf32> to vector<1x16xf32>
          tpu.vector_store %arg7[%swap3A_102, %swap3A_103], %swap3A_106 {strides = array<i32>} : memref<200x128xf32, #tpu.memory_space<vmem>>, vector<1x16xf32>,
          %get3A_107 = arith.index_cast %add3A_81 : i32 to index
          %get3A_108 = arith.constant 48 : index
          %get3A_109 = tpu.vector_load %arg5[%get3A_107, %get3A_108] {strides = array<i32>} : memref<200x65xf32, #tpu.memory_space<vmem>>, vector<1x16xf32>,
          %get3A_110 = vector.shape_cast %get3A_109 : vector<1x16xf32> to vector<16xf32>
          %swap3A_111 = arith.index_cast %add3A_81 : i32 to index
          %swap3A_112 = arith.constant 48 : index
          %swap3A_113 = tpu.vector_load %arg7[%swap3A_111, %swap3A_112] {strides = array<i32>} : memref<200x128xf32, #tpu.memory_space<vmem>>, vector<1x16xf32>,
          %swap3A_114 = vector.shape_cast %swap3A_113 : vector<1x16xf32> to vector<16xf32>
          %swap3A_115 = vector.shape_cast %get3A_110 : vector<16xf32> to vector<1x16xf32>
          tpu.vector_store %arg7[%swap3A_111, %swap3A_112], %swap3A_115 {strides = array<i32>} : memref<200x128xf32, #tpu.memory_space<vmem>>, vector<1x16xf32>,
          %get3A_116 = arith.index_cast %add3A_81 : i32 to index
          %get3A_117 = arith.constant 49 : index
          %get3A_118 = tpu.vector_load %arg5[%get3A_116, %get3A_117] {strides = array<i32>} : memref<200x65xf32, #tpu.memory_space<vmem>>, vector<1x16xf32>,
          %get3A_119 = vector.shape_cast %get3A_118 : vector<1x16xf32> to vector<16xf32>
          %swap3A_120 = arith.index_cast %add3A_81 : i32 to index
          %swap3A_121 = arith.constant 49 : index
          %swap3A_122 = tpu.vector_load %arg7[%swap3A_120, %swap3A_121] {strides = array<i32>} : memref<200x128xf32, #tpu.memory_space<vmem>>, vector<1x16xf32>,
          %swap3A_123 = vector.shape_cast %swap3A_122 : vector<1x16xf32> to vector<16xf32>
          %swap3A_124 = vector.shape_cast %get3A_119 : vector<16xf32> to vector<1x16xf32>
          tpu.vector_store %arg7[%swap3A_120, %swap3A_121], %swap3A_124 {strides = array<i32>} : memref<200x128xf32, #tpu.memory_space<vmem>>, vector<1x16xf32>,
          %mul3A_125 = arith.constant 2 : i32
          %mul3A_126 = arith.muli %scan3A_77, %mul3A_125 : i32
          %add3A_127 = arith.constant 1 : i32
          %add3A_128 = arith.addi %mul3A_126, %add3A_127 : i32
          %get3A_129 = arith.index_cast %add3A_128 : i32 to index
          %get3A_130 = arith.constant 0 : index
          %get3A_131 = tpu.vector_load %arg5[%get3A_129, %get3A_130] {strides = array<i32>} : memref<200x65xf32, #tpu.memory_space<vmem>>, vector<1x16xf32>,
          %get3A_132 = vector.shape_cast %get3A_131 : vector<1x16xf32> to vector<16xf32>
          %swap3A_133 = arith.index_cast %add3A_128 : i32 to index
          %swap3A_134 = arith.constant 0 : index
          %swap3A_135 = tpu.vector_load %arg7[%swap3A_133, %swap3A_134] {strides = array<i32>} : memref<200x128xf32, #tpu.memory_space<vmem>>, vector<1x16xf32>,
          %swap3A_136 = vector.shape_cast %swap3A_135 : vector<1x16xf32> to vector<16xf32>
          %swap3A_137 = vector.shape_cast %get3A_132 : vector<16xf32> to vector<1x16xf32>
          tpu.vector_store %arg7[%swap3A_133, %swap3A_134], %swap3A_137 {strides = array<i32>} : memref<200x128xf32, #tpu.memory_space<vmem>>, vector<1x16xf32>,
          %get3A_138 = arith.index_cast %add3A_128 : i32 to index
          %get3A_139 = arith.constant 16 : index
          %get3A_140 = tpu.vector_load %arg5[%get3A_138, %get3A_139] {strides = array<i32>} : memref<200x65xf32, #tpu.memory_space<vmem>>, vector<1x16xf32>,
          %get3A_141 = vector.shape_cast %get3A_140 : vector<1x16xf32> to vector<16xf32>
          %swap3A_142 = arith.index_cast %add3A_128 : i32 to index
          %swap3A_143 = arith.constant 16 : index
          %swap3A_144 = tpu.vector_load %arg7[%swap3A_142, %swap3A_143] {strides = array<i32>} : memref<200x128xf32, #tpu.memory_space<vmem>>, vector<1x16xf32>,
          %swap3A_145 = vector.shape_cast %swap3A_144 : vector<1x16xf32> to vector<16xf32>
          %swap3A_146 = vector.shape_cast %get3A_141 : vector<16xf32> to vector<1x16xf32>
          tpu.vector_store %arg7[%swap3A_142, %swap3A_143], %swap3A_146 {strides = array<i32>} : memref<200x128xf32, #tpu.memory_space<vmem>>, vector<1x16xf32>,
          %get3A_147 = arith.index_cast %add3A_128 : i32 to index
          %get3A_148 = arith.constant 32 : index
          %get3A_149 = tpu.vector_load %arg5[%get3A_147, %get3A_148] {strides = array<i32>} : memref<200x65xf32, #tpu.memory_space<vmem>>, vector<1x16xf32>,
          %get3A_150 = vector.shape_cast %get3A_149 : vector<1x16xf32> to vector<16xf32>
          %swap3A_151 = arith.index_cast %add3A_128 : i32 to index
          %swap3A_152 = arith.constant 32 : index
          %swap3A_153 = tpu.vector_load %arg7[%swap3A_151, %swap3A_152] {strides = array<i32>} : memref<200x128xf32, #tpu.memory_space<vmem>>, vector<1x16xf32>,
          %swap3A_154 = vector.shape_cast %swap3A_153 : vector<1x16xf32> to vector<16xf32>
          %swap3A_155 = vector.shape_cast %get3A_150 : vector<16xf32> to vector<1x16xf32>
          tpu.vector_store %arg7[%swap3A_151, %swap3A_152], %swap3A_155 {strides = array<i32>} : memref<200x128xf32, #tpu.memory_space<vmem>>, vector<1x16xf32>,
          %get3A_156 = arith.index_cast %add3A_128 : i32 to index
          %get3A_157 = arith.constant 48 : index
          %get3A_158 = tpu.vector_load %arg5[%get3A_156, %get3A_157] {strides = array<i32>} : memref<200x65xf32, #tpu.memory_space<vmem>>, vector<1x16xf32>,
          %get3A_159 = vector.shape_cast %get3A_158 : vector<1x16xf32> to vector<16xf32>
          %swap3A_160 = arith.index_cast %add3A_128 : i32 to index
          %swap3A_161 = arith.constant 48 : index
          %swap3A_162 = tpu.vector_load %arg7[%swap3A_160, %swap3A_161] {strides = array<i32>} : memref<200x128xf32, #tpu.memory_space<vmem>>, vector<1x16xf32>,
          %swap3A_163 = vector.shape_cast %swap3A_162 : vector<1x16xf32> to vector<16xf32>
          %swap3A_164 = vector.shape_cast %get3A_159 : vector<16xf32> to vector<1x16xf32>
          tpu.vector_store %arg7[%swap3A_160, %swap3A_161], %swap3A_164 {strides = array<i32>} : memref<200x128xf32, #tpu.memory_space<vmem>>, vector<1x16xf32>,
          %get3A_165 = arith.index_cast %add3A_128 : i32 to index
          %get3A_166 = arith.constant 49 : index
          %get3A_167 = tpu.vector_load %arg5[%get3A_165, %get3A_166] {strides = array<i32>} : memref<200x65xf32, #tpu.memory_space<vmem>>, vector<1x16xf32>,
          %get3A_168 = vector.shape_cast %get3A_167 : vector<1x16xf32> to vector<16xf32>
          %swap3A_169 = arith.index_cast %add3A_128 : i32 to index
          %swap3A_170 = arith.constant 49 : index
          %swap3A_171 = tpu.vector_load %arg7[%swap3A_169, %swap3A_170] {strides = array<i32>} : memref<200x128xf32, #tpu.memory_space<vmem>>, vector<1x16xf32>,
          %swap3A_172 = vector.shape_cast %swap3A_171 : vector<1x16xf32> to vector<16xf32>
          %swap3A_173 = vector.shape_cast %get3A_168 : vector<16xf32> to vector<1x16xf32>
          tpu.vector_store %arg7[%swap3A_169, %swap3A_170], %swap3A_173 {strides = array<i32>} : memref<200x128xf32, #tpu.memory_space<vmem>>, vector<1x16xf32>,
        }
        %scan3A_64 = arith.constant 100 : i32
        %mul3A_65 = arith.constant 200 : i32
        %mul3A_66 = arith.muli %add3A_43, %mul3A_65 : i32
        %dma_start3A = arith.constant 0 : i32
        %dma_start3A_67 = tpu.memref_slice %arg3[%mul3A_66, %dma_start3A] : memref<1000000x128xf32, #tpu.memory_space<hbm>> -> memref<200x128xf32, #tpu.memory_space<hbm>>
        %dma_start3A_68 = arith.constant 0 : i32
        %dma_start3A_69 = tpu.memref_slice %arg3[%mul3A_66, %dma_start3A_68] : memref<1000000x128xf32, #tpu.memory_space<hbm>> -> memref<200x128xf32, #tpu.memory_space<hbm>>
        tpu.enqueue_dma source(%arg7 : memref<200x128xf32, #tpu.memory_space<vmem>>) target(%dma_start3A_69 : memref<200x128xf32, #tpu.memory_space<hbm>>) target_semaphore(%arg11 : memref<!tpu.dma_semaphore, #tpu.memory_space<semaphore_mem>>)
        %add3A_70 = arith.constant 64 : i32
        %add3A_71 = arith.addi %add3A_43, %add3A_70 : i32
        %lt3A_72 = arith.constant 5000 : i32
        %lt3A_73 = arith.cmpi slt, %add3A_71, %lt3A_72 : i32
        %convert_element_type3A_74 = arith.extui %lt3A_73 : i1 to i32
        %cond3A_75 = arith.constant 0 : i32
        %cond3A_76 = arith.cmpi ne, %convert_element_type3A_74, %cond3A_75 : i32
        scf.if %cond3A_76 {
          %add3A_77 = arith.constant 64 : i32
          %add3A_78 = arith.addi %add3A_43, %add3A_77 : i32
          %mul3A_79 = arith.constant 200 : i32
          %mul3A_80 = arith.muli %add3A_78, %mul3A_79 : i32
          %dma_start3A_81 = arith.constant 0 : i32
          %dma_start3A_82 = tpu.memref_slice %arg2[%mul3A_80, %dma_start3A_81] : memref<1000000x65xf32, #tpu.memory_space<hbm>> -> memref<200x65xf32, #tpu.memory_space<hbm>>
          %dma_start3A_83 = arith.constant 0 : i32
          %dma_start3A_84 = tpu.memref_slice %arg2[%mul3A_80, %dma_start3A_83] : memref<1000000x65xf32, #tpu.memory_space<hbm>> -> memref<200x65xf32, #tpu.memory_space<hbm>>
          tpu.enqueue_dma source(%dma_start3A_84 : memref<200x65xf32, #tpu.memory_space<hbm>>) target(%arg5 : memref<200x65xf32, #tpu.memory_space<vmem>>) target_semaphore(%arg9 : memref<!tpu.dma_semaphore, #tpu.memory_space<semaphore_mem>>)
        } else {
        }
      } else {
      }
    }
    %scan3A_16 = arith.constant 79 : i32
    %dma_wait3A = arith.constant 0 : i32
    %dma_wait3A_17 = arith.constant 0 : i32
    %dma_wait3A_18 = tpu.memref_slice %arg3[%dma_wait3A, %dma_wait3A_17] : memref<1000000x128xf32, #tpu.memory_space<hbm>> -> memref<200x128xf32, #tpu.memory_space<hbm>>
    %dma_wait3A_19 = arith.constant 0 : i32
    %dma_wait3A_20 = arith.constant 0 : i32
    %dma_wait3A_21 = tpu.memref_slice %arg3[%dma_wait3A_19, %dma_wait3A_20] : memref<1000000x128xf32, #tpu.memory_space<hbm>> -> memref<200x128xf32, #tpu.memory_space<hbm>>
    tpu.wait_dma2 semaphore(%arg10 : memref<!tpu.dma_semaphore, #tpu.memory_space<semaphore_mem>>) src(%arg6 : memref<200x128xf32, #tpu.memory_space<vmem>>) dst(%dma_wait3A_21 : memref<200x128xf32, #tpu.memory_space<hbm>>)
    %dma_wait3A_22 = arith.constant 0 : i32
    %dma_wait3A_23 = arith.constant 0 : i32
    %dma_wait3A_24 = tpu.memref_slice %arg3[%dma_wait3A_22, %dma_wait3A_23] : memref<1000000x128xf32, #tpu.memory_space<hbm>> -> memref<200x128xf32, #tpu.memory_space<hbm>>
    %dma_wait3A_25 = arith.constant 0 : i32
    %dma_wait3A_26 = arith.constant 0 : i32
    %dma_wait3A_27 = tpu.memref_slice %arg3[%dma_wait3A_25, %dma_wait3A_26] : memref<1000000x128xf32, #tpu.memory_space<hbm>> -> memref<200x128xf32, #tpu.memory_space<hbm>>
    tpu.wait_dma2 semaphore(%arg11 : memref<!tpu.dma_semaphore, #tpu.memory_space<semaphore_mem>>) src(%arg7 : memref<200x128xf32, #tpu.memory_space<vmem>>) dst(%dma_wait3A_27 : memref<200x128xf32, #tpu.memory_space<hbm>>)
    return
  }
}

#map = affine_map<(d0, d1) -> (0)>
#map1 = affine_map<(d0, d1) -> (0, 0)>
module attributes {stable_mosaic.version = 14 : i64} {
  func.func @phase2(%arg0: i32, %arg1: i32, %arg2: memref<819200xi32, #tpu.memory_space<hbm>>, %arg3: memref<1000000x128xf32, #tpu.memory_space<hbm>>, %arg4: memref<819200x65xf32, #tpu.memory_space<hbm>>, %arg5: memref<25600xi32, #tpu.memory_space<vmem>>, %arg6: memref<128x128xf32, #tpu.memory_space<vmem>>, %arg7: memref<128x128xf32, #tpu.memory_space<vmem>>, %arg8: memref<128x65xf32, #tpu.memory_space<vmem>>, %arg9: memref<128x65xf32, #tpu.memory_space<vmem>>, %arg10: memref<!tpu.dma_semaphore, #tpu.memory_space<semaphore_mem>>, %arg11: memref<!tpu.dma_semaphore, #tpu.memory_space<semaphore_mem>>, %arg12: memref<!tpu.dma_semaphore, #tpu.memory_space<semaphore_mem>>, %arg13: memref<!tpu.dma_semaphore, #tpu.memory_space<semaphore_mem>>) attributes {dimension_semantics = [#tpu.dimension_semantics<core_parallel>, #tpu.dimension_semantics<subcore_parallel>], iteration_bounds = array<i64: 2, 16>, scalar_prefetch = 0 : i64, scratch_operands = 9 : i64, tpu.core_type = #tpu.core_type<sc_vector_subcore>, window_params = [{transform_indices = #map}, {transform_indices = #map1}, {transform_indices = #map1}]} {
    %mul3A = arith.constant 2 : i32
    %mul3A_0 = arith.muli %arg1, %mul3A : i32
    %add3A = arith.addi %mul3A_0, %arg0 : i32
    %mul3A_1 = arith.constant 25600 : i32
    %mul3A_2 = arith.muli %add3A, %mul3A_1 : i32
    "tpu.region"() ({
      %run_scoped3A = tpu.sem_alloc : memref<!tpu.dma_semaphore, #tpu.memory_space<semaphore_mem>>
      %dma_start3A_28 = tpu.memref_slice %arg2[%mul3A_2] : memref<819200xi32, #tpu.memory_space<hbm>> -> memref<25600xi32, #tpu.memory_space<hbm>>
      %dma_start3A_29 = tpu.memref_slice %arg2[%mul3A_2] : memref<819200xi32, #tpu.memory_space<hbm>> -> memref<25600xi32, #tpu.memory_space<hbm>>
      tpu.enqueue_dma source(%dma_start3A_29 : memref<25600xi32, #tpu.memory_space<hbm>>) target(%arg5 : memref<25600xi32, #tpu.memory_space<vmem>>) target_semaphore(%run_scoped3A : memref<!tpu.dma_semaphore, #tpu.memory_space<semaphore_mem>>)
      %dma_wait3A_30 = tpu.memref_slice %arg2[%mul3A_2] : memref<819200xi32, #tpu.memory_space<hbm>> -> memref<25600xi32, #tpu.memory_space<hbm>>
      %dma_wait3A_31 = tpu.memref_slice %arg2[%mul3A_2] : memref<819200xi32, #tpu.memory_space<hbm>> -> memref<25600xi32, #tpu.memory_space<hbm>>
      tpu.wait_dma2 semaphore(%run_scoped3A : memref<!tpu.dma_semaphore, #tpu.memory_space<semaphore_mem>>) src(%dma_wait3A_31 : memref<25600xi32, #tpu.memory_space<hbm>>) dst(%arg5 : memref<25600xi32, #tpu.memory_space<vmem>>)
      tpu.yield
    }) : () -> ()
    %dma_start3A = arith.constant 0 : i32
    %dma_start3A_3 = tpu.memref_slice %arg5[%dma_start3A] : memref<25600xi32, #tpu.memory_space<vmem>> -> memref<128xi32, #tpu.memory_space<vmem>>
    %dma_start3A_4 = arith.constant 0 : i32
    %dma_start3A_5 = arith.constant 0 : i32
    %dma_start3A_6 = tpu.memref_slice %arg3[%dma_start3A_4, %dma_start3A_5] : memref<1000000x128xf32, #tpu.memory_space<hbm>> -> memref<1000000x128xf32, #tpu.memory_space<hbm>>
    tpu.enqueue_indirect_dma source(%dma_start3A_6 : memref<1000000x128xf32, #tpu.memory_space<hbm>>) target(%arg6 : memref<128x128xf32, #tpu.memory_space<vmem>>) offsets(%dma_start3A_3 : memref<128xi32, #tpu.memory_space<vmem>>) semaphore(%arg10 : memref<!tpu.dma_semaphore, #tpu.memory_space<semaphore_mem>>)
    %dma_start3A_7 = arith.constant 128 : i32
    %dma_start3A_8 = tpu.memref_slice %arg5[%dma_start3A_7] : memref<25600xi32, #tpu.memory_space<vmem>> -> memref<128xi32, #tpu.memory_space<vmem>>
    %dma_start3A_9 = arith.constant 0 : i32
    %dma_start3A_10 = arith.constant 0 : i32
    %dma_start3A_11 = tpu.memref_slice %arg3[%dma_start3A_9, %dma_start3A_10] : memref<1000000x128xf32, #tpu.memory_space<hbm>> -> memref<1000000x128xf32, #tpu.memory_space<hbm>>
    tpu.enqueue_indirect_dma source(%dma_start3A_11 : memref<1000000x128xf32, #tpu.memory_space<hbm>>) target(%arg7 : memref<128x128xf32, #tpu.memory_space<vmem>>) offsets(%dma_start3A_8 : memref<128xi32, #tpu.memory_space<vmem>>) semaphore(%arg11 : memref<!tpu.dma_semaphore, #tpu.memory_space<semaphore_mem>>)
    %scan3A = arith.constant 0 : i32
    %scan3A_12 = arith.constant 0 : i32
    %scan3A_13 = arith.constant 100 : i32
    %scan3A_14 = arith.addi %scan3A_12, %scan3A_13 : i32
    %scan3A_15 = arith.constant 1 : i32
    scf.for %scan3A_28 = %scan3A_12 to %scan3A_14 step %scan3A_15  : i32 {
      %mul3A_29 = arith.constant 2 : i32
      %mul3A_30 = arith.muli %mul3A_29, %scan3A_28 : i32
      %add3A_31 = arith.constant 0 : i32
      %add3A_32 = arith.addi %mul3A_30, %add3A_31 : i32
      %dma_wait3A_33 = arith.constant 0 : i32
      %dma_wait3A_34 = arith.constant 0 : i32
      %dma_wait3A_35 = tpu.memref_slice %arg3[%dma_wait3A_33, %dma_wait3A_34] : memref<1000000x128xf32, #tpu.memory_space<hbm>> -> memref<128x128xf32, #tpu.memory_space<hbm>>
      %dma_wait3A_36 = arith.constant 0 : i32
      %dma_wait3A_37 = arith.constant 0 : i32
      %dma_wait3A_38 = tpu.memref_slice %arg3[%dma_wait3A_36, %dma_wait3A_37] : memref<1000000x128xf32, #tpu.memory_space<hbm>> -> memref<128x128xf32, #tpu.memory_space<hbm>>
      tpu.wait_dma2 semaphore(%arg10 : memref<!tpu.dma_semaphore, #tpu.memory_space<semaphore_mem>>) src(%dma_wait3A_38 : memref<128x128xf32, #tpu.memory_space<hbm>>) dst(%arg6 : memref<128x128xf32, #tpu.memory_space<vmem>>)
      %ge3A = arith.constant 1 : i32
      %ge3A_39 = arith.cmpi sge, %scan3A_28, %ge3A : i32
      %convert_element_type3A = arith.extui %ge3A_39 : i1 to i32
      %cond3A = arith.constant 0 : i32
      %cond3A_40 = arith.cmpi ne, %convert_element_type3A, %cond3A : i32
      scf.if %cond3A_40 {
        %dma_wait3A_95 = arith.constant 0 : i32
        %dma_wait3A_96 = arith.constant 0 : i32
        %dma_wait3A_97 = tpu.memref_slice %arg4[%dma_wait3A_95, %dma_wait3A_96] : memref<819200x65xf32, #tpu.memory_space<hbm>> -> memref<128x65xf32, #tpu.memory_space<hbm>>
        %dma_wait3A_98 = arith.constant 0 : i32
        %dma_wait3A_99 = arith.constant 0 : i32
        %dma_wait3A_100 = tpu.memref_slice %arg4[%dma_wait3A_98, %dma_wait3A_99] : memref<819200x65xf32, #tpu.memory_space<hbm>> -> memref<128x65xf32, #tpu.memory_space<hbm>>
        tpu.wait_dma2 semaphore(%arg12 : memref<!tpu.dma_semaphore, #tpu.memory_space<semaphore_mem>>) src(%arg8 : memref<128x65xf32, #tpu.memory_space<vmem>>) dst(%dma_wait3A_100 : memref<128x65xf32, #tpu.memory_space<hbm>>)
      } else {
      }
      %scan3A_41 = arith.constant 0 : i32
      %scan3A_42 = arith.constant 0 : i32
      %scan3A_43 = arith.constant 64 : i32
      %scan3A_44 = arith.addi %scan3A_42, %scan3A_43 : i32
      %scan3A_45 = arith.constant 1 : i32
      scf.for %scan3A_95 = %scan3A_42 to %scan3A_44 step %scan3A_45  : i32 {
        %mul3A_96 = arith.constant 2 : i32
        %mul3A_97 = arith.muli %scan3A_95, %mul3A_96 : i32
        %add3A_98 = arith.constant 0 : i32
        %add3A_99 = arith.addi %mul3A_97, %add3A_98 : i32
        %get3A = arith.index_cast %add3A_99 : i32 to index
        %get3A_100 = arith.constant 0 : index
        %get3A_101 = tpu.vector_load %arg6[%get3A, %get3A_100] {strides = array<i32>} : memref<128x128xf32, #tpu.memory_space<vmem>>, vector<1x16xf32>,
        %get3A_102 = vector.shape_cast %get3A_101 : vector<1x16xf32> to vector<16xf32>
        %swap3A = arith.index_cast %add3A_99 : i32 to index
        %swap3A_103 = arith.constant 0 : index
        %swap3A_104 = tpu.vector_load %arg8[%swap3A, %swap3A_103] {strides = array<i32>} : memref<128x65xf32, #tpu.memory_space<vmem>>, vector<1x16xf32>,
        %swap3A_105 = vector.shape_cast %swap3A_104 : vector<1x16xf32> to vector<16xf32>
        %swap3A_106 = vector.shape_cast %get3A_102 : vector<16xf32> to vector<1x16xf32>
        tpu.vector_store %arg8[%swap3A, %swap3A_103], %swap3A_106 {strides = array<i32>} : memref<128x65xf32, #tpu.memory_space<vmem>>, vector<1x16xf32>,
        %get3A_107 = arith.index_cast %add3A_99 : i32 to index
        %get3A_108 = arith.constant 16 : index
        %get3A_109 = tpu.vector_load %arg6[%get3A_107, %get3A_108] {strides = array<i32>} : memref<128x128xf32, #tpu.memory_space<vmem>>, vector<1x16xf32>,
        %get3A_110 = vector.shape_cast %get3A_109 : vector<1x16xf32> to vector<16xf32>
        %swap3A_111 = arith.index_cast %add3A_99 : i32 to index
        %swap3A_112 = arith.constant 16 : index
        %swap3A_113 = tpu.vector_load %arg8[%swap3A_111, %swap3A_112] {strides = array<i32>} : memref<128x65xf32, #tpu.memory_space<vmem>>, vector<1x16xf32>,
        %swap3A_114 = vector.shape_cast %swap3A_113 : vector<1x16xf32> to vector<16xf32>
        %swap3A_115 = vector.shape_cast %get3A_110 : vector<16xf32> to vector<1x16xf32>
        tpu.vector_store %arg8[%swap3A_111, %swap3A_112], %swap3A_115 {strides = array<i32>} : memref<128x65xf32, #tpu.memory_space<vmem>>, vector<1x16xf32>,
        %get3A_116 = arith.index_cast %add3A_99 : i32 to index
        %get3A_117 = arith.constant 32 : index
        %get3A_118 = tpu.vector_load %arg6[%get3A_116, %get3A_117] {strides = array<i32>} : memref<128x128xf32, #tpu.memory_space<vmem>>, vector<1x16xf32>,
        %get3A_119 = vector.shape_cast %get3A_118 : vector<1x16xf32> to vector<16xf32>
        %swap3A_120 = arith.index_cast %add3A_99 : i32 to index
        %swap3A_121 = arith.constant 32 : index
        %swap3A_122 = tpu.vector_load %arg8[%swap3A_120, %swap3A_121] {strides = array<i32>} : memref<128x65xf32, #tpu.memory_space<vmem>>, vector<1x16xf32>,
        %swap3A_123 = vector.shape_cast %swap3A_122 : vector<1x16xf32> to vector<16xf32>
        %swap3A_124 = vector.shape_cast %get3A_119 : vector<16xf32> to vector<1x16xf32>
        tpu.vector_store %arg8[%swap3A_120, %swap3A_121], %swap3A_124 {strides = array<i32>} : memref<128x65xf32, #tpu.memory_space<vmem>>, vector<1x16xf32>,
        %get3A_125 = arith.index_cast %add3A_99 : i32 to index
        %get3A_126 = arith.constant 48 : index
        %get3A_127 = tpu.vector_load %arg6[%get3A_125, %get3A_126] {strides = array<i32>} : memref<128x128xf32, #tpu.memory_space<vmem>>, vector<1x16xf32>,
        %get3A_128 = vector.shape_cast %get3A_127 : vector<1x16xf32> to vector<16xf32>
        %swap3A_129 = arith.index_cast %add3A_99 : i32 to index
        %swap3A_130 = arith.constant 48 : index
        %swap3A_131 = tpu.vector_load %arg8[%swap3A_129, %swap3A_130] {strides = array<i32>} : memref<128x65xf32, #tpu.memory_space<vmem>>, vector<1x16xf32>,
        %swap3A_132 = vector.shape_cast %swap3A_131 : vector<1x16xf32> to vector<16xf32>
        %swap3A_133 = vector.shape_cast %get3A_128 : vector<16xf32> to vector<1x16xf32>
        tpu.vector_store %arg8[%swap3A_129, %swap3A_130], %swap3A_133 {strides = array<i32>} : memref<128x65xf32, #tpu.memory_space<vmem>>, vector<1x16xf32>,
        %get3A_134 = arith.index_cast %add3A_99 : i32 to index
        %get3A_135 = arith.constant 49 : index
        %get3A_136 = tpu.vector_load %arg6[%get3A_134, %get3A_135] {strides = array<i32>} : memref<128x128xf32, #tpu.memory_space<vmem>>, vector<1x16xf32>,
        %get3A_137 = vector.shape_cast %get3A_136 : vector<1x16xf32> to vector<16xf32>
        %swap3A_138 = arith.index_cast %add3A_99 : i32 to index
        %swap3A_139 = arith.constant 49 : index
        %swap3A_140 = tpu.vector_load %arg8[%swap3A_138, %swap3A_139] {strides = array<i32>} : memref<128x65xf32, #tpu.memory_space<vmem>>, vector<1x16xf32>,
        %swap3A_141 = vector.shape_cast %swap3A_140 : vector<1x16xf32> to vector<16xf32>
        %swap3A_142 = vector.shape_cast %get3A_137 : vector<16xf32> to vector<1x16xf32>
        tpu.vector_store %arg8[%swap3A_138, %swap3A_139], %swap3A_142 {strides = array<i32>} : memref<128x65xf32, #tpu.memory_space<vmem>>, vector<1x16xf32>,
        %mul3A_143 = arith.constant 2 : i32
        %mul3A_144 = arith.muli %scan3A_95, %mul3A_143 : i32
        %add3A_145 = arith.constant 1 : i32
        %add3A_146 = arith.addi %mul3A_144, %add3A_145 : i32
        %get3A_147 = arith.index_cast %add3A_146 : i32 to index
        %get3A_148 = arith.constant 0 : index
        %get3A_149 = tpu.vector_load %arg6[%get3A_147, %get3A_148] {strides = array<i32>} : memref<128x128xf32, #tpu.memory_space<vmem>>, vector<1x16xf32>,
        %get3A_150 = vector.shape_cast %get3A_149 : vector<1x16xf32> to vector<16xf32>
        %swap3A_151 = arith.index_cast %add3A_146 : i32 to index
        %swap3A_152 = arith.constant 0 : index
        %swap3A_153 = tpu.vector_load %arg8[%swap3A_151, %swap3A_152] {strides = array<i32>} : memref<128x65xf32, #tpu.memory_space<vmem>>, vector<1x16xf32>,
        %swap3A_154 = vector.shape_cast %swap3A_153 : vector<1x16xf32> to vector<16xf32>
        %swap3A_155 = vector.shape_cast %get3A_150 : vector<16xf32> to vector<1x16xf32>
        tpu.vector_store %arg8[%swap3A_151, %swap3A_152], %swap3A_155 {strides = array<i32>} : memref<128x65xf32, #tpu.memory_space<vmem>>, vector<1x16xf32>,
        %get3A_156 = arith.index_cast %add3A_146 : i32 to index
        %get3A_157 = arith.constant 16 : index
        %get3A_158 = tpu.vector_load %arg6[%get3A_156, %get3A_157] {strides = array<i32>} : memref<128x128xf32, #tpu.memory_space<vmem>>, vector<1x16xf32>,
        %get3A_159 = vector.shape_cast %get3A_158 : vector<1x16xf32> to vector<16xf32>
        %swap3A_160 = arith.index_cast %add3A_146 : i32 to index
        %swap3A_161 = arith.constant 16 : index
        %swap3A_162 = tpu.vector_load %arg8[%swap3A_160, %swap3A_161] {strides = array<i32>} : memref<128x65xf32, #tpu.memory_space<vmem>>, vector<1x16xf32>,
        %swap3A_163 = vector.shape_cast %swap3A_162 : vector<1x16xf32> to vector<16xf32>
        %swap3A_164 = vector.shape_cast %get3A_159 : vector<16xf32> to vector<1x16xf32>
        tpu.vector_store %arg8[%swap3A_160, %swap3A_161], %swap3A_164 {strides = array<i32>} : memref<128x65xf32, #tpu.memory_space<vmem>>, vector<1x16xf32>,
        %get3A_165 = arith.index_cast %add3A_146 : i32 to index
        %get3A_166 = arith.constant 32 : index
        %get3A_167 = tpu.vector_load %arg6[%get3A_165, %get3A_166] {strides = array<i32>} : memref<128x128xf32, #tpu.memory_space<vmem>>, vector<1x16xf32>,
        %get3A_168 = vector.shape_cast %get3A_167 : vector<1x16xf32> to vector<16xf32>
        %swap3A_169 = arith.index_cast %add3A_146 : i32 to index
        %swap3A_170 = arith.constant 32 : index
        %swap3A_171 = tpu.vector_load %arg8[%swap3A_169, %swap3A_170] {strides = array<i32>} : memref<128x65xf32, #tpu.memory_space<vmem>>, vector<1x16xf32>,
        %swap3A_172 = vector.shape_cast %swap3A_171 : vector<1x16xf32> to vector<16xf32>
        %swap3A_173 = vector.shape_cast %get3A_168 : vector<16xf32> to vector<1x16xf32>
        tpu.vector_store %arg8[%swap3A_169, %swap3A_170], %swap3A_173 {strides = array<i32>} : memref<128x65xf32, #tpu.memory_space<vmem>>, vector<1x16xf32>,
        %get3A_174 = arith.index_cast %add3A_146 : i32 to index
        %get3A_175 = arith.constant 48 : index
        %get3A_176 = tpu.vector_load %arg6[%get3A_174, %get3A_175] {strides = array<i32>} : memref<128x128xf32, #tpu.memory_space<vmem>>, vector<1x16xf32>,
        %get3A_177 = vector.shape_cast %get3A_176 : vector<1x16xf32> to vector<16xf32>
        %swap3A_178 = arith.index_cast %add3A_146 : i32 to index
        %swap3A_179 = arith.constant 48 : index
        %swap3A_180 = tpu.vector_load %arg8[%swap3A_178, %swap3A_179] {strides = array<i32>} : memref<128x65xf32, #tpu.memory_space<vmem>>, vector<1x16xf32>,
        %swap3A_181 = vector.shape_cast %swap3A_180 : vector<1x16xf32> to vector<16xf32>
        %swap3A_182 = vector.shape_cast %get3A_177 : vector<16xf32> to vector<1x16xf32>
        tpu.vector_store %arg8[%swap3A_178, %swap3A_179], %swap3A_182 {strides = array<i32>} : memref<128x65xf32, #tpu.memory_space<vmem>>, vector<1x16xf32>,
        %get3A_183 = arith.index_cast %add3A_146 : i32 to index
        %get3A_184 = arith.constant 49 : index
        %get3A_185 = tpu.vector_load %arg6[%get3A_183, %get3A_184] {strides = array<i32>} : memref<128x128xf32, #tpu.memory_space<vmem>>, vector<1x16xf32>,
        %get3A_186 = vector.shape_cast %get3A_185 : vector<1x16xf32> to vector<16xf32>
        %swap3A_187 = arith.index_cast %add3A_146 : i32 to index
        %swap3A_188 = arith.constant 49 : index
        %swap3A_189 = tpu.vector_load %arg8[%swap3A_187, %swap3A_188] {strides = array<i32>} : memref<128x65xf32, #tpu.memory_space<vmem>>, vector<1x16xf32>,
        %swap3A_190 = vector.shape_cast %swap3A_189 : vector<1x16xf32> to vector<16xf32>
        %swap3A_191 = vector.shape_cast %get3A_186 : vector<16xf32> to vector<1x16xf32>
        tpu.vector_store %arg8[%swap3A_187, %swap3A_188], %swap3A_191 {strides = array<i32>} : memref<128x65xf32, #tpu.memory_space<vmem>>, vector<1x16xf32>,
      }
      %scan3A_46 = arith.constant 64 : i32
      %mul3A_47 = arith.constant 128 : i32
      %mul3A_48 = arith.muli %add3A_32, %mul3A_47 : i32
      %add3A_49 = arith.addi %mul3A_2, %mul3A_48 : i32
      %dma_start3A_50 = arith.constant 0 : i32
      %dma_start3A_51 = tpu.memref_slice %arg4[%add3A_49, %dma_start3A_50] : memref<819200x65xf32, #tpu.memory_space<hbm>> -> memref<128x65xf32, #tpu.memory_space<hbm>>
      %dma_start3A_52 = arith.constant 0 : i32
      %dma_start3A_53 = tpu.memref_slice %arg4[%add3A_49, %dma_start3A_52] : memref<819200x65xf32, #tpu.memory_space<hbm>> -> memref<128x65xf32, #tpu.memory_space<hbm>>
      tpu.enqueue_dma source(%arg8 : memref<128x65xf32, #tpu.memory_space<vmem>>) target(%dma_start3A_53 : memref<128x65xf32, #tpu.memory_space<hbm>>) target_semaphore(%arg12 : memref<!tpu.dma_semaphore, #tpu.memory_space<semaphore_mem>>)
      %add3A_54 = arith.constant 2 : i32
      %add3A_55 = arith.addi %add3A_32, %add3A_54 : i32
      %lt3A = arith.constant 200 : i32
      %lt3A_56 = arith.cmpi slt, %add3A_55, %lt3A : i32
      %convert_element_type3A_57 = arith.extui %lt3A_56 : i1 to i32
      %cond3A_58 = arith.constant 0 : i32
      %cond3A_59 = arith.cmpi ne, %convert_element_type3A_57, %cond3A_58 : i32
      scf.if %cond3A_59 {
        %add3A_95 = arith.constant 2 : i32
        %add3A_96 = arith.addi %add3A_32, %add3A_95 : i32
        %mul3A_97 = arith.constant 128 : i32
        %mul3A_98 = arith.muli %add3A_96, %mul3A_97 : i32
        %dma_start3A_99 = tpu.memref_slice %arg5[%mul3A_98] : memref<25600xi32, #tpu.memory_space<vmem>> -> memref<128xi32, #tpu.memory_space<vmem>>
        %dma_start3A_100 = arith.constant 0 : i32
        %dma_start3A_101 = arith.constant 0 : i32
        %dma_start3A_102 = tpu.memref_slice %arg3[%dma_start3A_100, %dma_start3A_101] : memref<1000000x128xf32, #tpu.memory_space<hbm>> -> memref<1000000x128xf32, #tpu.memory_space<hbm>>
        tpu.enqueue_indirect_dma source(%dma_start3A_102 : memref<1000000x128xf32, #tpu.memory_space<hbm>>) target(%arg6 : memref<128x128xf32, #tpu.memory_space<vmem>>) offsets(%dma_start3A_99 : memref<128xi32, #tpu.memory_space<vmem>>) semaphore(%arg10 : memref<!tpu.dma_semaphore, #tpu.memory_space<semaphore_mem>>)
      } else {
      }
      %mul3A_60 = arith.constant 2 : i32
      %mul3A_61 = arith.muli %mul3A_60, %scan3A_28 : i32
      %add3A_62 = arith.constant 1 : i32
      %add3A_63 = arith.addi %mul3A_61, %add3A_62 : i32
      %dma_wait3A_64 = arith.constant 0 : i32
      %dma_wait3A_65 = arith.constant 0 : i32
      %dma_wait3A_66 = tpu.memref_slice %arg3[%dma_wait3A_64, %dma_wait3A_65] : memref<1000000x128xf32, #tpu.memory_space<hbm>> -> memref<128x128xf32, #tpu.memory_space<hbm>>
      %dma_wait3A_67 = arith.constant 0 : i32
      %dma_wait3A_68 = arith.constant 0 : i32
      %dma_wait3A_69 = tpu.memref_slice %arg3[%dma_wait3A_67, %dma_wait3A_68] : memref<1000000x128xf32, #tpu.memory_space<hbm>> -> memref<128x128xf32, #tpu.memory_space<hbm>>
      tpu.wait_dma2 semaphore(%arg11 : memref<!tpu.dma_semaphore, #tpu.memory_space<semaphore_mem>>) src(%dma_wait3A_69 : memref<128x128xf32, #tpu.memory_space<hbm>>) dst(%arg7 : memref<128x128xf32, #tpu.memory_space<vmem>>)
      %ge3A_70 = arith.constant 1 : i32
      %ge3A_71 = arith.cmpi sge, %scan3A_28, %ge3A_70 : i32
      %convert_element_type3A_72 = arith.extui %ge3A_71 : i1 to i32
      %cond3A_73 = arith.constant 0 : i32
      %cond3A_74 = arith.cmpi ne, %convert_element_type3A_72, %cond3A_73 : i32
      scf.if %cond3A_74 {
        %dma_wait3A_95 = arith.constant 0 : i32
        %dma_wait3A_96 = arith.constant 0 : i32
        %dma_wait3A_97 = tpu.memref_slice %arg4[%dma_wait3A_95, %dma_wait3A_96] : memref<819200x65xf32, #tpu.memory_space<hbm>> -> memref<128x65xf32, #tpu.memory_space<hbm>>
        %dma_wait3A_98 = arith.constant 0 : i32
        %dma_wait3A_99 = arith.constant 0 : i32
        %dma_wait3A_100 = tpu.memref_slice %arg4[%dma_wait3A_98, %dma_wait3A_99] : memref<819200x65xf32, #tpu.memory_space<hbm>> -> memref<128x65xf32, #tpu.memory_space<hbm>>
        tpu.wait_dma2 semaphore(%arg13 : memref<!tpu.dma_semaphore, #tpu.memory_space<semaphore_mem>>) src(%arg9 : memref<128x65xf32, #tpu.memory_space<vmem>>) dst(%dma_wait3A_100 : memref<128x65xf32, #tpu.memory_space<hbm>>)
      } else {
      }
      %scan3A_75 = arith.constant 0 : i32
      %scan3A_76 = arith.constant 0 : i32
      %scan3A_77 = arith.constant 64 : i32
      %scan3A_78 = arith.addi %scan3A_76, %scan3A_77 : i32
      %scan3A_79 = arith.constant 1 : i32
      scf.for %scan3A_95 = %scan3A_76 to %scan3A_78 step %scan3A_79  : i32 {
        %mul3A_96 = arith.constant 2 : i32
        %mul3A_97 = arith.muli %scan3A_95, %mul3A_96 : i32
        %add3A_98 = arith.constant 0 : i32
        %add3A_99 = arith.addi %mul3A_97, %add3A_98 : i32
        %get3A = arith.index_cast %add3A_99 : i32 to index
        %get3A_100 = arith.constant 0 : index
        %get3A_101 = tpu.vector_load %arg7[%get3A, %get3A_100] {strides = array<i32>} : memref<128x128xf32, #tpu.memory_space<vmem>>, vector<1x16xf32>,
        %get3A_102 = vector.shape_cast %get3A_101 : vector<1x16xf32> to vector<16xf32>
        %swap3A = arith.index_cast %add3A_99 : i32 to index
        %swap3A_103 = arith.constant 0 : index
        %swap3A_104 = tpu.vector_load %arg9[%swap3A, %swap3A_103] {strides = array<i32>} : memref<128x65xf32, #tpu.memory_space<vmem>>, vector<1x16xf32>,
        %swap3A_105 = vector.shape_cast %swap3A_104 : vector<1x16xf32> to vector<16xf32>
        %swap3A_106 = vector.shape_cast %get3A_102 : vector<16xf32> to vector<1x16xf32>
        tpu.vector_store %arg9[%swap3A, %swap3A_103], %swap3A_106 {strides = array<i32>} : memref<128x65xf32, #tpu.memory_space<vmem>>, vector<1x16xf32>,
        %get3A_107 = arith.index_cast %add3A_99 : i32 to index
        %get3A_108 = arith.constant 16 : index
        %get3A_109 = tpu.vector_load %arg7[%get3A_107, %get3A_108] {strides = array<i32>} : memref<128x128xf32, #tpu.memory_space<vmem>>, vector<1x16xf32>,
        %get3A_110 = vector.shape_cast %get3A_109 : vector<1x16xf32> to vector<16xf32>
        %swap3A_111 = arith.index_cast %add3A_99 : i32 to index
        %swap3A_112 = arith.constant 16 : index
        %swap3A_113 = tpu.vector_load %arg9[%swap3A_111, %swap3A_112] {strides = array<i32>} : memref<128x65xf32, #tpu.memory_space<vmem>>, vector<1x16xf32>,
        %swap3A_114 = vector.shape_cast %swap3A_113 : vector<1x16xf32> to vector<16xf32>
        %swap3A_115 = vector.shape_cast %get3A_110 : vector<16xf32> to vector<1x16xf32>
        tpu.vector_store %arg9[%swap3A_111, %swap3A_112], %swap3A_115 {strides = array<i32>} : memref<128x65xf32, #tpu.memory_space<vmem>>, vector<1x16xf32>,
        %get3A_116 = arith.index_cast %add3A_99 : i32 to index
        %get3A_117 = arith.constant 32 : index
        %get3A_118 = tpu.vector_load %arg7[%get3A_116, %get3A_117] {strides = array<i32>} : memref<128x128xf32, #tpu.memory_space<vmem>>, vector<1x16xf32>,
        %get3A_119 = vector.shape_cast %get3A_118 : vector<1x16xf32> to vector<16xf32>
        %swap3A_120 = arith.index_cast %add3A_99 : i32 to index
        %swap3A_121 = arith.constant 32 : index
        %swap3A_122 = tpu.vector_load %arg9[%swap3A_120, %swap3A_121] {strides = array<i32>} : memref<128x65xf32, #tpu.memory_space<vmem>>, vector<1x16xf32>,
        %swap3A_123 = vector.shape_cast %swap3A_122 : vector<1x16xf32> to vector<16xf32>
        %swap3A_124 = vector.shape_cast %get3A_119 : vector<16xf32> to vector<1x16xf32>
        tpu.vector_store %arg9[%swap3A_120, %swap3A_121], %swap3A_124 {strides = array<i32>} : memref<128x65xf32, #tpu.memory_space<vmem>>, vector<1x16xf32>,
        %get3A_125 = arith.index_cast %add3A_99 : i32 to index
        %get3A_126 = arith.constant 48 : index
        %get3A_127 = tpu.vector_load %arg7[%get3A_125, %get3A_126] {strides = array<i32>} : memref<128x128xf32, #tpu.memory_space<vmem>>, vector<1x16xf32>,
        %get3A_128 = vector.shape_cast %get3A_127 : vector<1x16xf32> to vector<16xf32>
        %swap3A_129 = arith.index_cast %add3A_99 : i32 to index
        %swap3A_130 = arith.constant 48 : index
        %swap3A_131 = tpu.vector_load %arg9[%swap3A_129, %swap3A_130] {strides = array<i32>} : memref<128x65xf32, #tpu.memory_space<vmem>>, vector<1x16xf32>,
        %swap3A_132 = vector.shape_cast %swap3A_131 : vector<1x16xf32> to vector<16xf32>
        %swap3A_133 = vector.shape_cast %get3A_128 : vector<16xf32> to vector<1x16xf32>
        tpu.vector_store %arg9[%swap3A_129, %swap3A_130], %swap3A_133 {strides = array<i32>} : memref<128x65xf32, #tpu.memory_space<vmem>>, vector<1x16xf32>,
        %get3A_134 = arith.index_cast %add3A_99 : i32 to index
        %get3A_135 = arith.constant 49 : index
        %get3A_136 = tpu.vector_load %arg7[%get3A_134, %get3A_135] {strides = array<i32>} : memref<128x128xf32, #tpu.memory_space<vmem>>, vector<1x16xf32>,
        %get3A_137 = vector.shape_cast %get3A_136 : vector<1x16xf32> to vector<16xf32>
        %swap3A_138 = arith.index_cast %add3A_99 : i32 to index
        %swap3A_139 = arith.constant 49 : index
        %swap3A_140 = tpu.vector_load %arg9[%swap3A_138, %swap3A_139] {strides = array<i32>} : memref<128x65xf32, #tpu.memory_space<vmem>>, vector<1x16xf32>,
        %swap3A_141 = vector.shape_cast %swap3A_140 : vector<1x16xf32> to vector<16xf32>
        %swap3A_142 = vector.shape_cast %get3A_137 : vector<16xf32> to vector<1x16xf32>
        tpu.vector_store %arg9[%swap3A_138, %swap3A_139], %swap3A_142 {strides = array<i32>} : memref<128x65xf32, #tpu.memory_space<vmem>>, vector<1x16xf32>,
        %mul3A_143 = arith.constant 2 : i32
        %mul3A_144 = arith.muli %scan3A_95, %mul3A_143 : i32
        %add3A_145 = arith.constant 1 : i32
        %add3A_146 = arith.addi %mul3A_144, %add3A_145 : i32
        %get3A_147 = arith.index_cast %add3A_146 : i32 to index
        %get3A_148 = arith.constant 0 : index
        %get3A_149 = tpu.vector_load %arg7[%get3A_147, %get3A_148] {strides = array<i32>} : memref<128x128xf32, #tpu.memory_space<vmem>>, vector<1x16xf32>,
        %get3A_150 = vector.shape_cast %get3A_149 : vector<1x16xf32> to vector<16xf32>
        %swap3A_151 = arith.index_cast %add3A_146 : i32 to index
        %swap3A_152 = arith.constant 0 : index
        %swap3A_153 = tpu.vector_load %arg9[%swap3A_151, %swap3A_152] {strides = array<i32>} : memref<128x65xf32, #tpu.memory_space<vmem>>, vector<1x16xf32>,
        %swap3A_154 = vector.shape_cast %swap3A_153 : vector<1x16xf32> to vector<16xf32>
        %swap3A_155 = vector.shape_cast %get3A_150 : vector<16xf32> to vector<1x16xf32>
        tpu.vector_store %arg9[%swap3A_151, %swap3A_152], %swap3A_155 {strides = array<i32>} : memref<128x65xf32, #tpu.memory_space<vmem>>, vector<1x16xf32>,
        %get3A_156 = arith.index_cast %add3A_146 : i32 to index
        %get3A_157 = arith.constant 16 : index
        %get3A_158 = tpu.vector_load %arg7[%get3A_156, %get3A_157] {strides = array<i32>} : memref<128x128xf32, #tpu.memory_space<vmem>>, vector<1x16xf32>,
        %get3A_159 = vector.shape_cast %get3A_158 : vector<1x16xf32> to vector<16xf32>
        %swap3A_160 = arith.index_cast %add3A_146 : i32 to index
        %swap3A_161 = arith.constant 16 : index
        %swap3A_162 = tpu.vector_load %arg9[%swap3A_160, %swap3A_161] {strides = array<i32>} : memref<128x65xf32, #tpu.memory_space<vmem>>, vector<1x16xf32>,
        %swap3A_163 = vector.shape_cast %swap3A_162 : vector<1x16xf32> to vector<16xf32>
        %swap3A_164 = vector.shape_cast %get3A_159 : vector<16xf32> to vector<1x16xf32>
        tpu.vector_store %arg9[%swap3A_160, %swap3A_161], %swap3A_164 {strides = array<i32>} : memref<128x65xf32, #tpu.memory_space<vmem>>, vector<1x16xf32>,
        %get3A_165 = arith.index_cast %add3A_146 : i32 to index
        %get3A_166 = arith.constant 32 : index
        %get3A_167 = tpu.vector_load %arg7[%get3A_165, %get3A_166] {strides = array<i32>} : memref<128x128xf32, #tpu.memory_space<vmem>>, vector<1x16xf32>,
        %get3A_168 = vector.shape_cast %get3A_167 : vector<1x16xf32> to vector<16xf32>
        %swap3A_169 = arith.index_cast %add3A_146 : i32 to index
        %swap3A_170 = arith.constant 32 : index
        %swap3A_171 = tpu.vector_load %arg9[%swap3A_169, %swap3A_170] {strides = array<i32>} : memref<128x65xf32, #tpu.memory_space<vmem>>, vector<1x16xf32>,
        %swap3A_172 = vector.shape_cast %swap3A_171 : vector<1x16xf32> to vector<16xf32>
        %swap3A_173 = vector.shape_cast %get3A_168 : vector<16xf32> to vector<1x16xf32>
        tpu.vector_store %arg9[%swap3A_169, %swap3A_170], %swap3A_173 {strides = array<i32>} : memref<128x65xf32, #tpu.memory_space<vmem>>, vector<1x16xf32>,
        %get3A_174 = arith.index_cast %add3A_146 : i32 to index
        %get3A_175 = arith.constant 48 : index
        %get3A_176 = tpu.vector_load %arg7[%get3A_174, %get3A_175] {strides = array<i32>} : memref<128x128xf32, #tpu.memory_space<vmem>>, vector<1x16xf32>,
        %get3A_177 = vector.shape_cast %get3A_176 : vector<1x16xf32> to vector<16xf32>
        %swap3A_178 = arith.index_cast %add3A_146 : i32 to index
        %swap3A_179 = arith.constant 48 : index
        %swap3A_180 = tpu.vector_load %arg9[%swap3A_178, %swap3A_179] {strides = array<i32>} : memref<128x65xf32, #tpu.memory_space<vmem>>, vector<1x16xf32>,
        %swap3A_181 = vector.shape_cast %swap3A_180 : vector<1x16xf32> to vector<16xf32>
        %swap3A_182 = vector.shape_cast %get3A_177 : vector<16xf32> to vector<1x16xf32>
        tpu.vector_store %arg9[%swap3A_178, %swap3A_179], %swap3A_182 {strides = array<i32>} : memref<128x65xf32, #tpu.memory_space<vmem>>, vector<1x16xf32>,
        %get3A_183 = arith.index_cast %add3A_146 : i32 to index
        %get3A_184 = arith.constant 49 : index
        %get3A_185 = tpu.vector_load %arg7[%get3A_183, %get3A_184] {strides = array<i32>} : memref<128x128xf32, #tpu.memory_space<vmem>>, vector<1x16xf32>,
        %get3A_186 = vector.shape_cast %get3A_185 : vector<1x16xf32> to vector<16xf32>
        %swap3A_187 = arith.index_cast %add3A_146 : i32 to index
        %swap3A_188 = arith.constant 49 : index
        %swap3A_189 = tpu.vector_load %arg9[%swap3A_187, %swap3A_188] {strides = array<i32>} : memref<128x65xf32, #tpu.memory_space<vmem>>, vector<1x16xf32>,
        %swap3A_190 = vector.shape_cast %swap3A_189 : vector<1x16xf32> to vector<16xf32>
        %swap3A_191 = vector.shape_cast %get3A_186 : vector<16xf32> to vector<1x16xf32>
        tpu.vector_store %arg9[%swap3A_187, %swap3A_188], %swap3A_191 {strides = array<i32>} : memref<128x65xf32, #tpu.memory_space<vmem>>, vector<1x16xf32>,
      }
      %scan3A_80 = arith.constant 64 : i32
      %mul3A_81 = arith.constant 128 : i32
      %mul3A_82 = arith.muli %add3A_63, %mul3A_81 : i32
      %add3A_83 = arith.addi %mul3A_2, %mul3A_82 : i32
      %dma_start3A_84 = arith.constant 0 : i32
      %dma_start3A_85 = tpu.memref_slice %arg4[%add3A_83, %dma_start3A_84] : memref<819200x65xf32, #tpu.memory_space<hbm>> -> memref<128x65xf32, #tpu.memory_space<hbm>>
      %dma_start3A_86 = arith.constant 0 : i32
      %dma_start3A_87 = tpu.memref_slice %arg4[%add3A_83, %dma_start3A_86] : memref<819200x65xf32, #tpu.memory_space<hbm>> -> memref<128x65xf32, #tpu.memory_space<hbm>>
      tpu.enqueue_dma source(%arg9 : memref<128x65xf32, #tpu.memory_space<vmem>>) target(%dma_start3A_87 : memref<128x65xf32, #tpu.memory_space<hbm>>) target_semaphore(%arg13 : memref<!tpu.dma_semaphore, #tpu.memory_space<semaphore_mem>>)
      %add3A_88 = arith.constant 2 : i32
      %add3A_89 = arith.addi %add3A_63, %add3A_88 : i32
      %lt3A_90 = arith.constant 200 : i32
      %lt3A_91 = arith.cmpi slt, %add3A_89, %lt3A_90 : i32
      %convert_element_type3A_92 = arith.extui %lt3A_91 : i1 to i32
      %cond3A_93 = arith.constant 0 : i32
      %cond3A_94 = arith.cmpi ne, %convert_element_type3A_92, %cond3A_93 : i32
      scf.if %cond3A_94 {
        %add3A_95 = arith.constant 2 : i32
        %add3A_96 = arith.addi %add3A_63, %add3A_95 : i32
        %mul3A_97 = arith.constant 128 : i32
        %mul3A_98 = arith.muli %add3A_96, %mul3A_97 : i32
        %dma_start3A_99 = tpu.memref_slice %arg5[%mul3A_98] : memref<25600xi32, #tpu.memory_space<vmem>> -> memref<128xi32, #tpu.memory_space<vmem>>
        %dma_start3A_100 = arith.constant 0 : i32
        %dma_start3A_101 = arith.constant 0 : i32
        %dma_start3A_102 = tpu.memref_slice %arg3[%dma_start3A_100, %dma_start3A_101] : memref<1000000x128xf32, #tpu.memory_space<hbm>> -> memref<1000000x128xf32, #tpu.memory_space<hbm>>
        tpu.enqueue_indirect_dma source(%dma_start3A_102 : memref<1000000x128xf32, #tpu.memory_space<hbm>>) target(%arg7 : memref<128x128xf32, #tpu.memory_space<vmem>>) offsets(%dma_start3A_99 : memref<128xi32, #tpu.memory_space<vmem>>) semaphore(%arg11 : memref<!tpu.dma_semaphore, #tpu.memory_space<semaphore_mem>>)
      } else {
      }
    }
    %scan3A_16 = arith.constant 100 : i32
    %dma_wait3A = arith.constant 0 : i32
    %dma_wait3A_17 = arith.constant 0 : i32
    %dma_wait3A_18 = tpu.memref_slice %arg4[%dma_wait3A, %dma_wait3A_17] : memref<819200x65xf32, #tpu.memory_space<hbm>> -> memref<128x65xf32, #tpu.memory_space<hbm>>
    %dma_wait3A_19 = arith.constant 0 : i32
    %dma_wait3A_20 = arith.constant 0 : i32
    %dma_wait3A_21 = tpu.memref_slice %arg4[%dma_wait3A_19, %dma_wait3A_20] : memref<819200x65xf32, #tpu.memory_space<hbm>> -> memref<128x65xf32, #tpu.memory_space<hbm>>
    tpu.wait_dma2 semaphore(%arg12 : memref<!tpu.dma_semaphore, #tpu.memory_space<semaphore_mem>>) src(%arg8 : memref<128x65xf32, #tpu.memory_space<vmem>>) dst(%dma_wait3A_21 : memref<128x65xf32, #tpu.memory_space<hbm>>)
    %dma_wait3A_22 = arith.constant 0 : i32
    %dma_wait3A_23 = arith.constant 0 : i32
    %dma_wait3A_24 = tpu.memref_slice %arg4[%dma_wait3A_22, %dma_wait3A_23] : memref<819200x65xf32, #tpu.memory_space<hbm>> -> memref<128x65xf32, #tpu.memory_space<hbm>>
    %dma_wait3A_25 = arith.constant 0 : i32
    %dma_wait3A_26 = arith.constant 0 : i32
    %dma_wait3A_27 = tpu.memref_slice %arg4[%dma_wait3A_25, %dma_wait3A_26] : memref<819200x65xf32, #tpu.memory_space<hbm>> -> memref<128x65xf32, #tpu.memory_space<hbm>>
    tpu.wait_dma2 semaphore(%arg13 : memref<!tpu.dma_semaphore, #tpu.memory_space<semaphore_mem>>) src(%arg9 : memref<128x65xf32, #tpu.memory_space<vmem>>) dst(%dma_wait3A_27 : memref<128x65xf32, #tpu.memory_space<hbm>>)
    return
  }
}

</mosaic_0001>

<sc_bundles>
// kernel: kernel.4.cloned.1.call-start
scs
__scs_entry_jumppad:
0x0: {  	(pc) =	sbr.rel $0x88, $3  }
0x1: {  	(tag) =	ssettag $0x0;
	lr =	simm.s32 $0x1  }
0x2: {  	[smem:$0x3F9F] =	sst lr;
	_ =	strace $0xD0000000  }
0x3: {  	_ = 	snop  }
0x4: {  	_ = 	snop  }
0x5: {  	_ = 	snop  }
0x6: {  	_ = 	snop  }
0x7: {  	_ = 	snop  }
__scs_overlays_trampoline_lowered:
0x8: {  	[smem:$0x3FAE] =	sst s0  }
0x9: {  	[smem:$0x3FAF] =	sst s1  }
0xa: {  	[smem:$0x3FB0] =	sst s2  }
0xb: {  	[smem:$0x3FB1] =	sst s3  }
0xc: {  	[smem:$0x3FB2] =	sst s4  }
0xd: {  	[smem:$0x3FB3] =	sst s5  }
0xe: {  	[smem:$0x3FB4] =	sst s6  }
0xf: {  	[smem:$0x3FB5] =	sst s7  }
0x10: {  	[smem:$0x3FB6] =	sst s8  }
0x11: {  	[smem:$0x3FB7] =	sst s9;
	s0 =	simm.s32 @!p0 $0x0  }
0x12: {  	s1 =	sld [smem:$0x3F9D];
	s0 =	simm.s32 @p0 $0x1  }
0x13: {  	[smem:$0x3FB8] =	sst s0;
	s0 =	simm.s32 @!p1 $0x0  }
0x14: {  	s2 =	sld [smem:$0x3F9C];
	s0 =	simm.s32 @p1 $0x1  }
0x15: {  	[smem:$0x3FB9] =	sst s0;
	s0 =	simm.s32 @!p2 $0x0  }
0x16: {  	s3 =	sld [smem:$0x3FDB];
	s0 =	simm.s32 @p2 $0x1  }
0x17: {  	s4 =	simm.s32 $0x1BF5;
	[smem:$0x3FBB] =	sst s0  }
0x18: {  	s0 =	sld [smem:$0x3F9E];
	_ =	swait.ge [sflag:s4], $0x0  }
0x19: {  	s7 =	sld [smem:$0x3F9F]  }
0x1a: {  	s8 =	sadd.s32 $0xFFFFE003, lr  }
0x1b: {  	s9 =	sadd.s32 $0xFFFFFEF7, lr;
	s5 =	simm.s32 $0xFFFFFFFF;
	p2 =	slt.u32 s8, $0xFFFFF086  }
0x1c: {  	p1 =	slt.u32 s9, $0xF7A;
	s5 =	simm.s32 @!p2 $0x0  }
0x1d: {  	s5 =	simm.s32 @p1 $0x1;
	p0 =	seq.s32 s7, s2  }
0x1e: {  	s7 =	smul.u32 @!p0 $0xF7A, s2;
	p2 =	seq.s32 @!p0 s5, $0x0  }
0x1f: {  	s9 =	smul.u32 $0xF7A, s1;
	s8 =	simm.s32 @!p0 $0x1BF5;
	p2 =	por !p2, p0  }
0x20: {  	[sflag:s8] =	ssyncset.s32 @!p0 $0xFFFFF086;
	s6 =	sadd.s32 @!p0 s3, s7;
	s7 =	simm.s32 @!p0 $0x108  }
0x21: {  	s3 =	sadd.s32 s3, s9;
	s6 =	sadd.s32 @!p0 $0x88, s6;
	s7 =	simm.s32 @p2 $0x1082  }
0x22: {  	[simem:s7], [sflag:s8] =	dma.local @!p0 [hbm:s6], $0xF7A  }
0x23: {  	s9 =	sor.u32 $0xD0000000, s2;
	s6 =	simm.s32 $0x108;
	_ =	swait.ge @!p0 [sflag:s8], $0x0  }
0x24: {  	s3 =	sadd.s32 $0x88, s3;
	s6 =	simm.s32 @!p1 $0x1082;
	[sflag:s4] =	ssyncset.s32 $0xFFFFF086  }
0x25: {  	[simem:s6], [sflag:s4] =	dma.local [hbm:s3], $0xF7A  }
0x26: {  	[smem:$0x3F9F] =	sst s1;
	(tag) =	ssettag s2;
	_ =	strace s9  }
0x27: {  	s1 =	sld [smem:$0x3FAF]  }
0x28: {  	s2 =	sld [smem:$0x3FB0]  }
0x29: {  	s4 =	sld [smem:$0x3FB2]  }
0x2a: {  	p0 =	seq.s32 s5, $0x0;
	s5 =	sld [smem:$0x3FB3]  }
0x2b: {  	s6 =	sld [smem:$0x3FB4]  }
0x2c: {  	s7 =	sld [smem:$0x3FB5]  }
0x2d: {  	s3 =	simm.s32 $0x108;
	s8 =	sld [smem:$0x3FB6]  }
0x2e: {  	s3 =	simm.s32 @!p0 $0x1082;
	s9 =	sld [smem:$0x3FB7]  }
0x2f: {  	lr =	sadd.s32 s0, s3;
	s0 =	sld [smem:$0x3FAE]  }
0x30: {  	s3 =	sld [smem:$0x3FB1]  }
0x31: {  	[smem:$0x3FBA] =	sst s10  }
0x32: {  	s10 =	sld [smem:$0x3FB8];
	_ =	sdelay $0x3  }
0x33: {  	p0 =	seq.s32 s10, $0x1;
	s10 =	sld [smem:$0x3FBA];
	_ =	sdelay $0x3  }
0x34: {  	[smem:$0x3FBA] =	sst s10  }
0x35: {  	s10 =	sld [smem:$0x3FB9];
	_ =	sdelay $0x3  }
0x36: {  	p1 =	seq.s32 s10, $0x1;
	s10 =	sld [smem:$0x3FBA];
	_ =	sdelay $0x3  }
0x37: {  	[smem:$0x3FBA] =	sst s10  }
0x38: {  	s10 =	sld [smem:$0x3FBB]  }
0x39: {  	_ = 	snop;
	(pc) =	sbr.ind lr, $3  }
0x3a: {  	_ = 	snop  }
0x3b: {  	_ = 	snop  }
0x3c: {  	p2 =	seq.s32 s10, $0x1;
	s10 =	sld [smem:$0x3FBA]  }
0x3d: {  	_ =	shalt  }
0x3e: {  	_ =	shalt  }
0x3f: {  	_ =	shalt  }
0x40: {  	_ =	shalt  }
0x41: {  	_ =	shalt  }
0x42: {  	_ =	shalt  }
0x43: {  	_ =	shalt  }
0x44: {  	_ =	shalt  }
0x45: {  	_ =	shalt  }
0x46: {  	_ =	shalt  }
0x47: {  	_ =	shalt  }
0x48: {  	_ =	shalt  }
0x49: {  	_ =	shalt  }
0x4a: {  	_ =	shalt  }
0x4b: {  	_ =	shalt  }
0x4c: {  	_ =	shalt  }
0x4d: {  	_ =	shalt  }
0x4e: {  	_ =	shalt  }
0x4f: {  	_ =	shalt  }
0x50: {  	_ =	shalt  }
0x51: {  	_ =	shalt  }
0x52: {  	_ =	shalt  }
0x53: {  	_ =	shalt  }
0x54: {  	_ =	shalt  }
0x55: {  	_ =	shalt  }
0x56: {  	_ =	shalt  }
0x57: {  	_ =	shalt  }
0x58: {  	_ =	shalt  }
0x59: {  	_ =	shalt  }
0x5a: {  	_ =	shalt  }
0x5b: {  	_ =	shalt  }
0x5c: {  	_ =	shalt  }
0x5d: {  	_ =	shalt  }
0x5e: {  	_ =	shalt  }
0x5f: {  	_ =	shalt  }
0x60: {  	_ =	shalt  }
0x61: {  	_ =	shalt  }
0x62: {  	_ =	shalt  }
0x63: {  	_ =	shalt  }
0x64: {  	_ =	shalt  }
0x65: {  	_ =	shalt  }
0x66: {  	_ =	shalt  }
0x67: {  	_ =	shalt  }
0x68: {  	_ =	shalt  }
0x69: {  	_ =	shalt  }
0x6a: {  	_ =	shalt  }
0x6b: {  	_ =	shalt  }
0x6c: {  	_ =	shalt  }
0x6d: {  	_ =	shalt  }
0x6e: {  	_ =	shalt  }
0x6f: {  	_ =	shalt  }
0x70: {  	_ =	shalt  }
0x71: {  	_ =	shalt  }
0x72: {  	_ =	shalt  }
0x73: {  	_ =	shalt  }
0x74: {  	_ =	shalt  }
0x75: {  	_ =	shalt  }
0x76: {  	_ =	shalt  }
0x77: {  	_ =	shalt  }
0x78: {  	_ =	shalt  }
0x79: {  	_ =	shalt  }
0x7a: {  	_ =	shalt  }
0x7b: {  	_ =	shalt  }
0x7c: {  	_ =	shalt  }
0x7d: {  	_ =	shalt  }
0x7e: {  	_ =	shalt  }
0x7f: {  	_ =	shalt  }
0x80: {  	_ =	shalt  }
0x81: {  	_ =	shalt  }
0x82: {  	_ =	shalt  }
0x83: {  	_ =	shalt  }
0x84: {  	_ =	shalt  }
0x85: {  	_ =	shalt  }
0x86: {  	_ =	shalt  }
0x87: {  	_ =	shalt  }
.Lfunc_end0:
.L_simem_size_0:
called_computation.1_lowered:
.L_overlay_start_0:
0x88: {  	s2 =	sld [smem:$0x3FD9]  }
0x89: {  	s3 =	sld [smem:$0x3FFE];
	_ =	sdelay $0x1  }
0x8a: {  	s1 =	srdreg.scid  }
0x8b: {  	s0 =	sand.u32 $0x1, s1  }
0x8c: {  	s16 =	sshll.u32 s0, $0xA;
	s2 =	sadd.s32 s3, s2  }
0x8d: {  	s2 =	sadd.s32 s2, s16  }
0x8e: {  	[smem:$0x3FC6] =	sst s2  }
0x8f: {  	_ = 	snop  }
0x90: {  	(tm) =	ssettm $0x1  }
0x91: {  	s17 =	sld [smem:$0x3FFB];
	_ =	sdelay $0x3  }
0x92: {  	_ =	strace s17  }
0x93: {  	s2 =	sld [smem:$0x3FFC];
	_ =	sdelay $0x3  }
0x94: {  	_ =	strace s2  }
0x95: {  	s2 =	sld [smem:$0x3FFD];
	_ =	sdelay $0x3  }
0x96: {  	_ =	strace s2  }
0x97: {  	_ =	strace $0x8FFFFFFF  }
0x98: {  	s18 =	sld [smem:$0x3FDB];
	_ =	sdelay $0x1  }
0x99: {  	s19 =	simm.s32 $_scs_section_size  }
0x9a: {  	s4 =	simm.s32 $_size__tile_overlayer_lowered;
	s5 =	simm.s32 $_tile_overlayer_lowered  }
0x9b: {  	s22 =	simm.s32 $0x1BFF;
	s21 =	sshll.u32 s5, $0x1;
	s2 =	sadd.s32 s19, s18  }
0x9c: {  	s6 =	simm.s32 $0x0;
	s20 =	sshll.u32 s4, $0x1;
	s4 =	sadd.s32 s21, s2  }
0x9d: {  	[timem:s6], [sflag:s22] =	dma.local [hbm:s4], s20  }
0x9e: {  	_ =	swait.ge [sflag:s22], s20  }
0x9f: {  	s3 =	ssub.s32 $0x0, s20;
	[sflag:s22] =	ssyncset.done $0x0  }
0xa0: {  	[sflag:s22] =	ssyncadd.s32 s3;
	_ =	sdelay $0x1  }
0xa1: {  	s23 =	simm.s32 $0x1B8B  }
0xa2: {  	_ =	swait.ge [sflag:s23], $0x1  }
0xa3: {  	[sflag:s23] =	ssyncset.done $0x0  }
0xa4: {  	s25 =	simm.s32 $0x1B8E;
	s24 =	sld [smem:$0x3FFE];
	[sflag:s23] =	ssyncadd.s32 $0xFFFFFFFF  }
0xa5: {  	s26 =	simm.s32 $execute0_lowered;
	[smem:$0x3FD2] =	sst s25  }
0xa6: {  	s4 =	sshll.u32 s26, $0x1;
	_ =	strace $0x80000046;
	[dreg:$0x1] =	wrdreg $0xFFFFFFFF  }
0xa7: {  	s28 =	simm.s32 $_size_execute0_lowered;
	s2 =	sadd.s32 s2, s4;
	[dreg:$0x0] =	wrdreg $0x0  }
0xa8: {  	s4 =	sshll.u32 s28, $0x1;
	[dreg:$0x2] =	wrdreg s2  }
0xa9: {  	[dreg:$0x3] =	wrdreg s4  }
0xaa: {  	[dreg:$0x4] =	wrdreg $0xC0  }
0xab: {  	_ =	task [dreg:s6], $0x5FFFF  }
0xac: {  	[dreg:$0x1] =	wrdreg $0xFFFFFFFF  }
0xad: {  	[dreg:$0x0] =	wrdreg $0x60  }
0xae: {  	[dreg:$0x2] =	wrdreg s24  }
0xaf: {  	[dreg:$0x3] =	wrdreg $0x9  }
0xb0: {  	_ =	task.clear_ibuf [dreg:s6], $0x4FFFF;
	_ =	strace $0x90000046  }
0xb1: {  	s29 =	simm.s32 $0x9;
	_ =	strace $0x80000048  }
0xb2: {  	_ =	swait.ge [sflag:s29], $0x1  }
0xb3: {  	[sflag:s29] =	ssyncadd.s32 $0xFFFFFFFF  }
0xb4: {  	_ =	strace $0x90000048  }
0xb5: {  	_ =	sfence  }
0xb6: {  	s30 =	sld [smem:$0x0];
	_ =	sdelay $0x2  }
0xb7: {  	s31 =	sshll.u32 s1, $0xD;
	s1 =	sshrl.u32 s1, $0x2  }
0xb8: {  	s3 =	sand.u32 $0x4000, s31;
	s1 =	sadd.s32 s1, s30  }
0xb9: {  	s0 =	sor.u32 s3, s0;
	s1 =	sshll.u32 s1, $0x11  }
0xba: {  	s0 =	sor.u32 s1, s0  }
0xbb: {  	s0 =	sadd.s32 $0x8F2B, s0  }
0xbc: {  	[sflag:s0] =	ssyncadd.remote.s32 $0x1  }
0xbd: {  	_ =	sfence.sel $0xFFFF  }
0xbe: {  	[dreg:$0x0] =	wrdreg $0xFFFFFFFF;
	(pc) =	sbr.abs _section_cstart, $3  }
0xbf: {  	[dreg:$0x1] =	wrdreg $0xFFFFFFFF  }
0xc0: {  	_ =	task.clear_ibuf [dreg:s6], $0x2FFFF;
	_ =	strace $0x9FFFFFFF  }
0xc1: {  	(tm) =	ssettm $0x7FFFFFFF  }
tec
execute0_lowered:
.L_overlay_start_1:
0x0: {  	(tag) =	ssettag $0x1  }
0x1: {  	s1 =	srdreg.scid  }
0x2: {  	s0 =	stileid.u32;
	s5 =	rddreg [dreg:$0x0];
	s2 =	simm.s32 $0x0  }
0x3: {  	s10 =	simm.s32 $0x1;
	s11 =	simm.s32 $0xC800;
	s12 =	simm.s32 $0x2  }
0x4: {  	s13 =	simm.s32 $0x12C00;
	s6 =	sand.u32 $0x1, s1;
	s3 =	sshll.u32 s0, $0x1  }
0x5: {  	s14 =	simm.s32 $0x3;
	s15 =	simm.s32 $0x4;
	s3 =	sor.u32 s6, s3  }
0x6: {  	s16 =	simm.s32 $0x0;
	s1 =	rddreg [dreg:$0x1];
	s7 =	smul.u32 $0x6400, s3  }
.Ltmp0:
0x7: {  	[smem:$0x7FF] =	sst s2;
	s4 =	sadd.s32 $0xE00, s5;
	(pc) =	sbr.rel .LBB2_1-.Ltmp0, $4  }
0x8: {  	s5 =	sadd.s32 $0xF43200, s5;
	s6 =	ssub.s32 $0x2, s6;
	s8 =	smul.u32 $0xC80, s3  }
0x9: {  	_ =	strace $0x80000047;
	s9 =	sshrl.u32 s6, $0x1;
	s7 =	sshrl.u32 s7, $0x3  }
0xa: {  	s9 =	ssub.s32 s6, s9;
	s6 =	sadd.s32 s4, s8;
	s7 =	sadd.s32 s4, s7  }
0xb: {  	s8 =	smax.u32 s9, $0x1;
	s9 =	simm.s32 $0x6400;
	s7 =	sadd.s32 $0x19000, s7  }
.LBB2_11:
0xc: {  	s16 =	sadd.s32 $0x1, s16  }
0xd: {  	_ =	swait.ge [sflag:s14], $0x6400;
	p0 =	sne.s32 s16, s8  }
.Ltmp1:
0xe: {  	[sflag:s14] =	ssyncset.done $0x0;
	(pc) =	sbr.rel @!p0 .LBB2_12-.Ltmp1, $4  }
0xf: {  	[sflag:s14] =	ssyncadd.s32 $0xFFFF9C00  }
0x10: {  	_ =	swait.ge [sflag:s15], $0x6400  }
0x11: {  	[sflag:s15] =	ssyncset.done $0x0  }
0x12: {  	[sflag:s15] =	ssyncadd.s32 $0xFFFF9C00  }
.LBB2_1:
.Ltmp2:
0x13: {  	(pc) =	sbr.rel .LBB2_2-.Ltmp2, $4  }
0x14: {  	_ = 	snop  }
0x15: {  	[tilespmem:s2], [sflag:$0x1] =	stream.linear.gather [hbm4b:s6+s2], $0x6400, $0x38;
	[tilespmem:$0x19000] =	vst v63  }
0x16: {  	s17 =	simm.s32 $0x0  }
0x17: {  	[tilespmem:s9], [sflag:$0x2] =	stream.linear.gather [hbm4b:s7+s2], $0x6400, $0x38;
	[tilespmem:$0x19000] =	vst v63  }
.LBB2_10:
0x18: {  	s17 =	sadd.s32 $0x1, s17  }
0x19: {  	p0 =	sne.s32 s17, $0x4F  }
.Ltmp3:
0x1a: {  	_ = 	snop;
	(pc) =	sbr.rel @!p0 .LBB2_11-.Ltmp3, $1  }
0x1b: {  	_ =	sdelay $0x3  }
.LBB2_2:
0x1c: {  	s18 =	sshll.u32 s17, $0x6  }
0x1d: {  	s18 =	sor.u32 s3, s18  }
0x1e: {  	p1 =	sgt.u32 s18, $0x1387  }
.Ltmp4:
0x1f: {  	_ = 	snop;
	(pc) =	sbr.rel @p1 .LBB2_6-.Ltmp4, $2  }
0x20: {  	_ =	sdelay $0x2  }
0x21: {  	p0 =	seq.s32 s17, $0x0  }
0x22: {  	_ =	swait.ge [sflag:s10], $0x6400  }
0x23: {  	[sflag:s10] =	ssyncset.done $0x0  }
0x24: {  	s19 =	simm.s32 @!p0 $0x3;
	[sflag:s10] =	ssyncadd.s32 $0xFFFF9C00  }
0x25: {  	_ =	swait.ge @!p0 [sflag:s19], $0x6400  }
0x26: {  	[sflag:s19] =	ssyncset.done @!p0 $0x0  }
0x27: {  	[sflag:s19] =	ssyncadd.s32 @!p0 $0xFFFF9C00;
	s19 =	simm.s32 $0xB1  }
0x28: {  	v0 =	vld [tilespmem:s19+$0xFFFFFF7F]  }
0x29: {  	v2 =	vld [tilespmem:s19+$0xFFFFFFFF]  }
0x2a: {  	v4 =	vld [tilespmem:s19+$0xFFFFFF4F]  }
0x2b: {  	v1 =	vld [tilespmem:s19+$0xFFFFFF80]  }
0x2c: {  	v3 =	vld [tilespmem:s19+$0x0]  }
0x2d: {  	v5 =	vld [tilespmem:s19+$0xFFFFFF5F];
	[tilespmem:s19+$0xC77F] =	vst v0  }
0x2e: {  	v6 =	vld [tilespmem:s19+$0xFFFFFF6F];
	[tilespmem:s19+$0xC7FF] =	vst v2  }
0x2f: {  	v7 =	vld [tilespmem:s19+$0xFFFFFFCF];
	[tilespmem:s19+$0xC74F] =	vst v4  }
0x30: {  	v0 =	vld [tilespmem:s19+$0xFFFFFFDF];
	[tilespmem:s19+$0xC780] =	vst v1  }
0x31: {  	s20 =	simm.s32 $0x1B1;
	v4 =	vld [tilespmem:s19+$0xFFFFFFEF];
	[tilespmem:s19+$0xC800] =	vst v3  }
0x32: {  	v1 =	vld [tilespmem:s20+$0xFFFFFF7F];
	[tilespmem:s19+$0xC75F] =	vst v5  }
0x33: {  	v2 =	vld [tilespmem:s20+$0xFFFFFF80];
	[tilespmem:s19+$0xC76F] =	vst v6  }
0x34: {  	s21 =	simm.s32 $0xAC4;
	v3 =	vld [tilespmem:s20+$0xFFFFFFFF];
	[tilespmem:s19+$0xC7CF] =	vst v7  }
.LBB2_4:
0x35: {  	p1 =	sne.s32 s21, $0x18EC4;
	v5 =	vld [tilespmem:s20+$0x0];
	[tilespmem:s19+$0xC7DF] =	vst v0  }
0x36: {  	v6 =	vld [tilespmem:s20+$0xFFFFFF4F];
	[tilespmem:s19+$0xC7EF] =	vst v4;
	s19 =	smov.u32 s20  }
0x37: {  	v7 =	vld [tilespmem:s19+$0xFFFFFF5F];
	[tilespmem:s19+$0xC77F] =	vst v1  }
0x38: {  	v8 =	vld [tilespmem:s19+$0xFFFFFF6F];
	[tilespmem:s19+$0xC780] =	vst v2  }
0x39: {  	v9 =	vld [tilespmem:s19+$0xFFFFFFCF];
	[tilespmem:s19+$0xC7FF] =	vst v3  }
.Ltmp5:
0x3a: {  	v0 =	vld [tilespmem:s19+$0xFFFFFFDF];
	[tilespmem:s19+$0xC800] =	vst v5;
	(pc) =	sbr.rel @p1 .LBB2_4-.Ltmp5, $4  }
0x3b: {  	s20 =	sshra.s32 s21, $0x2;
	[tilespmem:s19+$0xC74F] =	vst v6;
	v4 =	vld [tilespmem:s19+$0xFFFFFFEF]  }
0x3c: {  	v1 =	vld [tilespmem:s20+$0xFFFFFF7F];
	[tilespmem:s19+$0xC75F] =	vst v7  }
0x3d: {  	v2 =	vld [tilespmem:s20+$0xFFFFFF80];
	[tilespmem:s19+$0xC76F] =	vst v8  }
0x3e: {  	s21 =	sadd.s32 $0x400, s21;
	v3 =	vld [tilespmem:s20+$0xFFFFFFFF];
	[tilespmem:s19+$0xC7CF] =	vst v9  }
0x3f: {  	v5 =	vld [tilespmem:s20+$0x0];
	[tilespmem:s19+$0xC7DF] =	vst v0  }
0x40: {  	v0 =	vld [tilespmem:s20+$0xFFFFFF4F];
	[tilespmem:s19+$0xC7EF] =	vst v4  }
0x41: {  	v4 =	vld [tilespmem:s20+$0xFFFFFF5F];
	[tilespmem:s20+$0xC77F] =	vst v1  }
0x42: {  	v60 =	vld [tilespmem:s20+$0xFFFFFF6F];
	[tilespmem:s20+$0xC780] =	vst v2  }
0x43: {  	v61 =	vld [tilespmem:s20+$0xFFFFFFCF];
	[tilespmem:s20+$0xC7FF] =	vst v3  }
0x44: {  	v62 =	vld [tilespmem:s20+$0xFFFFFFDF];
	[tilespmem:s20+$0xC800] =	vst v5  }
0x45: {  	v63 =	vld [tilespmem:s20+$0xFFFFFFEF];
	[tilespmem:s20+$0xC74F] =	vst v0  }
0x46: {  	[tilespmem:s20+$0xC75F] =	vst v4  }
0x47: {  	[tilespmem:s20+$0xC76F] =	vst v60  }
0x48: {  	s31 =	smul.u32 $0xC80, s18;
	[tilespmem:s20+$0xC7CF] =	vst v61  }
0x49: {  	p1 =	sgt.u32 s18, $0x1347;
	[tilespmem:s20+$0xC7DF] =	vst v62  }
0x4a: {  	s19 =	sadd.s32 s5, s31;
	[tilespmem:s20+$0xC7EF] =	vst v63;
	s20 =	smul.u32 @!p1 $0x6400, s18  }
0x4b: {  	[hbm4b:s19+s2] =	stream.linear.scatter [tilespmem:s11], [sflag:$0x3], $0x6400, $0x38;
	[tilespmem:$0x19000] =	vst v63  }
0x4c: {  	s19 =	sshrl.u32 @!p1 s20, $0x3  }
0x4d: {  	s19 =	sadd.s32 @!p1 s4, s19  }
0x4e: {  	s20 =	simm.s32 @!p1 $0x0;
	s19 =	sadd.s32 @!p1 $0x32000, s19  }
0x4f: {  	[tilespmem:s20], [sflag:$0x1] =	stream.linear.gather @!p1 [hbm4b:s19+s20], $0x6400, $0x38;
	[tilespmem:$0x19000] =	vst v63  }
.LBB2_6:
0x50: {  	s19 =	sor.u32 $0x20, s18  }
0x51: {  	p1 =	sgt.u32 s19, $0x1387  }
.Ltmp6:
0x52: {  	_ = 	snop;
	(pc) =	sbr.rel @p1 .LBB2_10-.Ltmp6, $1  }
0x53: {  	_ =	sdelay $0x3  }
0x54: {  	_ =	swait.ge [sflag:s12], $0x6400  }
0x55: {  	[sflag:s12] =	ssyncset.done $0x0  }
0x56: {  	s20 =	simm.s32 @!p0 $0x4;
	[sflag:s12] =	ssyncadd.s32 $0xFFFF9C00  }
0x57: {  	_ =	swait.ge @!p0 [sflag:s20], $0x6400  }
0x58: {  	[sflag:s20] =	ssyncset.done @!p0 $0x0  }
0x59: {  	[sflag:s20] =	ssyncadd.s32 @!p0 $0xFFFF9C00;
	s20 =	simm.s32 $0xB1  }
0x5a: {  	v0 =	vld [tilespmem:s20+$0x637F]  }
0x5b: {  	v2 =	vld [tilespmem:s20+$0x63FF]  }
0x5c: {  	v4 =	vld [tilespmem:s20+$0x634F]  }
0x5d: {  	v1 =	vld [tilespmem:s20+$0x6380]  }
0x5e: {  	v3 =	vld [tilespmem:s20+$0x6400]  }
0x5f: {  	v5 =	vld [tilespmem:s20+$0x635F];
	[tilespmem:s20+$0x12B7F] =	vst v0  }
0x60: {  	v6 =	vld [tilespmem:s20+$0x636F];
	[tilespmem:s20+$0x12BFF] =	vst v2  }
0x61: {  	v7 =	vld [tilespmem:s20+$0x63CF];
	[tilespmem:s20+$0x12B4F] =	vst v4  }
0x62: {  	v0 =	vld [tilespmem:s20+$0x63DF];
	[tilespmem:s20+$0x12B80] =	vst v1  }
0x63: {  	s21 =	simm.s32 $0x1B1;
	v4 =	vld [tilespmem:s20+$0x63EF];
	[tilespmem:s20+$0x12C00] =	vst v3  }
0x64: {  	v1 =	vld [tilespmem:s21+$0x637F];
	[tilespmem:s20+$0x12B5F] =	vst v5  }
0x65: {  	v2 =	vld [tilespmem:s21+$0x6380];
	[tilespmem:s20+$0x12B6F] =	vst v6  }
0x66: {  	s22 =	simm.s32 $0xAC4;
	v3 =	vld [tilespmem:s21+$0x63FF];
	[tilespmem:s20+$0x12BCF] =	vst v7  }
.LBB2_8:
0x67: {  	p0 =	sne.s32 s22, $0x18EC4;
	v5 =	vld [tilespmem:s21+$0x6400];
	[tilespmem:s20+$0x12BDF] =	vst v0  }
0x68: {  	v6 =	vld [tilespmem:s21+$0x634F];
	[tilespmem:s20+$0x12BEF] =	vst v4;
	s20 =	smov.u32 s21  }
0x69: {  	v7 =	vld [tilespmem:s20+$0x635F];
	[tilespmem:s20+$0x12B7F] =	vst v1  }
0x6a: {  	v8 =	vld [tilespmem:s20+$0x636F];
	[tilespmem:s20+$0x12B80] =	vst v2  }
0x6b: {  	v9 =	vld [tilespmem:s20+$0x63CF];
	[tilespmem:s20+$0x12BFF] =	vst v3  }
.Ltmp7:
0x6c: {  	v0 =	vld [tilespmem:s20+$0x63DF];
	[tilespmem:s20+$0x12C00] =	vst v5;
	(pc) =	sbr.rel @p0 .LBB2_8-.Ltmp7, $4  }
0x6d: {  	s21 =	sshra.s32 s22, $0x2;
	[tilespmem:s20+$0x12B4F] =	vst v6;
	v4 =	vld [tilespmem:s20+$0x63EF]  }
0x6e: {  	v1 =	vld [tilespmem:s21+$0x637F];
	[tilespmem:s20+$0x12B5F] =	vst v7  }
0x6f: {  	v2 =	vld [tilespmem:s21+$0x6380];
	[tilespmem:s20+$0x12B6F] =	vst v8  }
0x70: {  	s22 =	sadd.s32 $0x400, s22;
	v3 =	vld [tilespmem:s21+$0x63FF];
	[tilespmem:s20+$0x12BCF] =	vst v9  }
0x71: {  	v5 =	vld [tilespmem:s21+$0x6400];
	[tilespmem:s20+$0x12BDF] =	vst v0  }
0x72: {  	v0 =	vld [tilespmem:s21+$0x634F];
	[tilespmem:s20+$0x12BEF] =	vst v4  }
0x73: {  	v4 =	vld [tilespmem:s21+$0x635F];
	[tilespmem:s21+$0x12B7F] =	vst v1  }
0x74: {  	v60 =	vld [tilespmem:s21+$0x636F];
	[tilespmem:s21+$0x12B80] =	vst v2  }
0x75: {  	v61 =	vld [tilespmem:s21+$0x63CF];
	[tilespmem:s21+$0x12BFF] =	vst v3  }
0x76: {  	v62 =	vld [tilespmem:s21+$0x63DF];
	[tilespmem:s21+$0x12C00] =	vst v5  }
0x77: {  	v63 =	vld [tilespmem:s21+$0x63EF];
	[tilespmem:s21+$0x12B4F] =	vst v0  }
0x78: {  	p0 =	sgt.u32 s18, $0x1327;
	[tilespmem:s21+$0x12B5F] =	vst v4  }
0x79: {  	s18 =	smul.u32 @!p0 $0x6400, s18;
	[tilespmem:s21+$0x12B6F] =	vst v60  }
0x7a: {  	s19 =	smul.u32 $0xC80, s19;
	[tilespmem:s21+$0x12BCF] =	vst v61  }
.Ltmp8:
0x7b: {  	s18 =	sshrl.u32 @!p0 s18, $0x3;
	[tilespmem:s21+$0x12BDF] =	vst v62;
	(pc) =	sbr.rel .LBB2_10-.Ltmp8, $4  }
0x7c: {  	s19 =	sadd.s32 s5, s19;
	s18 =	sadd.s32 @!p0 s4, s18;
	[tilespmem:s21+$0x12BEF] =	vst v63  }
0x7d: {  	[hbm4b:s19+s2] =	stream.linear.scatter [tilespmem:s13], [sflag:$0x4], $0x6400, $0x38;
	[tilespmem:$0x19000] =	vst v63  }
0x7e: {  	s20 =	simm.s32 @!p0 $0x6400;
	s18 =	sadd.s32 @!p0 $0x4B000, s18;
	s19 =	simm.s32 @!p0 $0x0  }
0x7f: {  	[tilespmem:s20], [sflag:$0x2] =	stream.linear.gather @!p0 [hbm4b:s18+s19], $0x6400, $0x38;
	[tilespmem:$0x19000] =	vst v63  }
.LBB2_12:
0x80: {  	_ =	sfence.sel $0x180000  }
0x81: {  	[bflag:$0x0] =	sbarrier.arrive $0xFFFF  }
0x82: {  	p0 =	sne.s32 s0, $0x0;
	_ =	strace $0x90000047  }
0x83: {  	s0 =	sadd.s32 @!p0 $0x100000, s1;
	[bflag:$0x2] =	sbarrier.arrive $0xFFFF  }
0x84: {  	[sflag:s0] =	ssyncadd.tile.s32 @!p0 $0x1;
	_ =	shalt  }
.Lfunc_end2:
_tile_overlayer_lowered:
.L_overlay_start_2:
0x85: {  	(tag) =	ssettag $0x2  }
0x86: {  	s0 =	rddreg [dreg:$0x0];
	s2 =	stileid.u32  }
0x87: {  	s1 =	rddreg [dreg:$0x1];
	p0 =	sne.s32 s2, $0x0  }
0x88: {  	s3 =	rddreg [dreg:$0x2];
	[bflag:$0x3] =	sbarrier.arrive $0xFFFF;
	s2 =	simm.s32 @!p0 $0x1C05  }
0x89: {  	[timem:s3], [sflag:s2] =	dma.local @!p0 [hbm:s0], s1  }
0x8a: {  	s0 =	simm.s32 @!p0 $0x5  }
0x8b: {  	_ =	swait.ge @!p0 [sflag:s0], s1  }
0x8c: {  	s1 =	ssub.s32 @!p0 $0x0, s1;
	[sflag:s0] =	ssyncset.done @!p0 $0x0  }
0x8d: {  	[sflag:s0] =	ssyncadd.s32 @!p0 s1  }
0x8e: {  	[bflag:$0x3] =	sbarrier.arrive $0xFFFF  }
0x8f: {  	_ =	shalt  }

// kernel: kernel.7.cloned.1.call-start
scs
__scs_entry_jumppad:
0x0: {  	(pc) =	sbr.rel $0x88, $3  }
0x1: {  	(tag) =	ssettag $0x0;
	lr =	simm.s32 $0x1  }
0x2: {  	[smem:$0x3F9F] =	sst lr;
	_ =	strace $0xD0000000  }
0x3: {  	_ = 	snop  }
0x4: {  	_ = 	snop  }
0x5: {  	_ = 	snop  }
0x6: {  	_ = 	snop  }
0x7: {  	_ = 	snop  }
__scs_overlays_trampoline_lowered:
0x8: {  	[smem:$0x3FAE] =	sst s0  }
0x9: {  	[smem:$0x3FAF] =	sst s1  }
0xa: {  	[smem:$0x3FB0] =	sst s2  }
0xb: {  	[smem:$0x3FB1] =	sst s3  }
0xc: {  	[smem:$0x3FB2] =	sst s4  }
0xd: {  	[smem:$0x3FB3] =	sst s5  }
0xe: {  	[smem:$0x3FB4] =	sst s6  }
0xf: {  	[smem:$0x3FB5] =	sst s7  }
0x10: {  	[smem:$0x3FB6] =	sst s8  }
0x11: {  	[smem:$0x3FB7] =	sst s9;
	s0 =	simm.s32 @!p0 $0x0  }
0x12: {  	s1 =	sld [smem:$0x3F9D];
	s0 =	simm.s32 @p0 $0x1  }
0x13: {  	[smem:$0x3FB8] =	sst s0;
	s0 =	simm.s32 @!p1 $0x0  }
0x14: {  	s2 =	sld [smem:$0x3F9C];
	s0 =	simm.s32 @p1 $0x1  }
0x15: {  	[smem:$0x3FB9] =	sst s0;
	s0 =	simm.s32 @!p2 $0x0  }
0x16: {  	s3 =	sld [smem:$0x3FDB];
	s0 =	simm.s32 @p2 $0x1  }
0x17: {  	s4 =	simm.s32 $0x1BF5;
	[smem:$0x3FBB] =	sst s0  }
0x18: {  	s0 =	sld [smem:$0x3F9E];
	_ =	swait.ge [sflag:s4], $0x0  }
0x19: {  	s7 =	sld [smem:$0x3F9F]  }
0x1a: {  	s8 =	sadd.s32 $0xFFFFE003, lr  }
0x1b: {  	s9 =	sadd.s32 $0xFFFFFEF7, lr;
	s5 =	simm.s32 $0xFFFFFFFF;
	p2 =	slt.u32 s8, $0xFFFFF086  }
0x1c: {  	p1 =	slt.u32 s9, $0xF7A;
	s5 =	simm.s32 @!p2 $0x0  }
0x1d: {  	s5 =	simm.s32 @p1 $0x1;
	p0 =	seq.s32 s7, s2  }
0x1e: {  	s7 =	smul.u32 @!p0 $0xF7A, s2;
	p2 =	seq.s32 @!p0 s5, $0x0  }
0x1f: {  	s9 =	smul.u32 $0xF7A, s1;
	s8 =	simm.s32 @!p0 $0x1BF5;
	p2 =	por !p2, p0  }
0x20: {  	[sflag:s8] =	ssyncset.s32 @!p0 $0xFFFFF086;
	s6 =	sadd.s32 @!p0 s3, s7;
	s7 =	simm.s32 @!p0 $0x108  }
0x21: {  	s3 =	sadd.s32 s3, s9;
	s6 =	sadd.s32 @!p0 $0x88, s6;
	s7 =	simm.s32 @p2 $0x1082  }
0x22: {  	[simem:s7], [sflag:s8] =	dma.local @!p0 [hbm:s6], $0xF7A  }
0x23: {  	s9 =	sor.u32 $0xD0000000, s2;
	s6 =	simm.s32 $0x108;
	_ =	swait.ge @!p0 [sflag:s8], $0x0  }
0x24: {  	s3 =	sadd.s32 $0x88, s3;
	s6 =	simm.s32 @!p1 $0x1082;
	[sflag:s4] =	ssyncset.s32 $0xFFFFF086  }
0x25: {  	[simem:s6], [sflag:s4] =	dma.local [hbm:s3], $0xF7A  }
0x26: {  	[smem:$0x3F9F] =	sst s1;
	(tag) =	ssettag s2;
	_ =	strace s9  }
0x27: {  	s1 =	sld [smem:$0x3FAF]  }
0x28: {  	s2 =	sld [smem:$0x3FB0]  }
0x29: {  	s4 =	sld [smem:$0x3FB2]  }
0x2a: {  	p0 =	seq.s32 s5, $0x0;
	s5 =	sld [smem:$0x3FB3]  }
0x2b: {  	s6 =	sld [smem:$0x3FB4]  }
0x2c: {  	s7 =	sld [smem:$0x3FB5]  }
0x2d: {  	s3 =	simm.s32 $0x108;
	s8 =	sld [smem:$0x3FB6]  }
0x2e: {  	s3 =	simm.s32 @!p0 $0x1082;
	s9 =	sld [smem:$0x3FB7]  }
0x2f: {  	lr =	sadd.s32 s0, s3;
	s0 =	sld [smem:$0x3FAE]  }
0x30: {  	s3 =	sld [smem:$0x3FB1]  }
0x31: {  	[smem:$0x3FBA] =	sst s10  }
0x32: {  	s10 =	sld [smem:$0x3FB8];
	_ =	sdelay $0x3  }
0x33: {  	p0 =	seq.s32 s10, $0x1;
	s10 =	sld [smem:$0x3FBA];
	_ =	sdelay $0x3  }
0x34: {  	[smem:$0x3FBA] =	sst s10  }
0x35: {  	s10 =	sld [smem:$0x3FB9];
	_ =	sdelay $0x3  }
0x36: {  	p1 =	seq.s32 s10, $0x1;
	s10 =	sld [smem:$0x3FBA];
	_ =	sdelay $0x3  }
0x37: {  	[smem:$0x3FBA] =	sst s10  }
0x38: {  	s10 =	sld [smem:$0x3FBB]  }
0x39: {  	_ = 	snop;
	(pc) =	sbr.ind lr, $3  }
0x3a: {  	_ = 	snop  }
0x3b: {  	_ = 	snop  }
0x3c: {  	p2 =	seq.s32 s10, $0x1;
	s10 =	sld [smem:$0x3FBA]  }
0x3d: {  	_ =	shalt  }
0x3e: {  	_ =	shalt  }
0x3f: {  	_ =	shalt  }
0x40: {  	_ =	shalt  }
0x41: {  	_ =	shalt  }
0x42: {  	_ =	shalt  }
0x43: {  	_ =	shalt  }
0x44: {  	_ =	shalt  }
0x45: {  	_ =	shalt  }
0x46: {  	_ =	shalt  }
0x47: {  	_ =	shalt  }
0x48: {  	_ =	shalt  }
0x49: {  	_ =	shalt  }
0x4a: {  	_ =	shalt  }
0x4b: {  	_ =	shalt  }
0x4c: {  	_ =	shalt  }
0x4d: {  	_ =	shalt  }
0x4e: {  	_ =	shalt  }
0x4f: {  	_ =	shalt  }
0x50: {  	_ =	shalt  }
0x51: {  	_ =	shalt  }
0x52: {  	_ =	shalt  }
0x53: {  	_ =	shalt  }
0x54: {  	_ =	shalt  }
0x55: {  	_ =	shalt  }
0x56: {  	_ =	shalt  }
0x57: {  	_ =	shalt  }
0x58: {  	_ =	shalt  }
0x59: {  	_ =	shalt  }
0x5a: {  	_ =	shalt  }
0x5b: {  	_ =	shalt  }
0x5c: {  	_ =	shalt  }
0x5d: {  	_ =	shalt  }
0x5e: {  	_ =	shalt  }
0x5f: {  	_ =	shalt  }
0x60: {  	_ =	shalt  }
0x61: {  	_ =	shalt  }
0x62: {  	_ =	shalt  }
0x63: {  	_ =	shalt  }
0x64: {  	_ =	shalt  }
0x65: {  	_ =	shalt  }
0x66: {  	_ =	shalt  }
0x67: {  	_ =	shalt  }
0x68: {  	_ =	shalt  }
0x69: {  	_ =	shalt  }
0x6a: {  	_ =	shalt  }
0x6b: {  	_ =	shalt  }
0x6c: {  	_ =	shalt  }
0x6d: {  	_ =	shalt  }
0x6e: {  	_ =	shalt  }
0x6f: {  	_ =	shalt  }
0x70: {  	_ =	shalt  }
0x71: {  	_ =	shalt  }
0x72: {  	_ =	shalt  }
0x73: {  	_ =	shalt  }
0x74: {  	_ =	shalt  }
0x75: {  	_ =	shalt  }
0x76: {  	_ =	shalt  }
0x77: {  	_ =	shalt  }
0x78: {  	_ =	shalt  }
0x79: {  	_ =	shalt  }
0x7a: {  	_ =	shalt  }
0x7b: {  	_ =	shalt  }
0x7c: {  	_ =	shalt  }
0x7d: {  	_ =	shalt  }
0x7e: {  	_ =	shalt  }
0x7f: {  	_ =	shalt  }
0x80: {  	_ =	shalt  }
0x81: {  	_ =	shalt  }
0x82: {  	_ =	shalt  }
0x83: {  	_ =	shalt  }
0x84: {  	_ =	shalt  }
0x85: {  	_ =	shalt  }
0x86: {  	_ =	shalt  }
0x87: {  	_ =	shalt  }
.Lfunc_end0:
.L_simem_size_0:
called_computation.2_lowered:
.L_overlay_start_0:
0x88: {  	s2 =	sld [smem:$0x3FD9]  }
0x89: {  	s3 =	sld [smem:$0x3FFE];
	_ =	sdelay $0x1  }
0x8a: {  	s1 =	srdreg.scid  }
0x8b: {  	s0 =	sand.u32 $0x1, s1  }
0x8c: {  	s17 =	sshll.u32 s0, $0xA;
	s2 =	sadd.s32 s3, s2  }
0x8d: {  	s2 =	sadd.s32 s2, s17  }
0x8e: {  	[smem:$0x3FC6] =	sst s2  }
0x8f: {  	_ = 	snop  }
0x90: {  	s2 =	sld [smem:$0x3FD0];
	(tm) =	ssettm $0x1  }
0x91: {  	s18 =	sld [smem:$0x3FFB];
	_ =	sdelay $0x3  }
0x92: {  	_ =	strace s18  }
0x93: {  	s3 =	sld [smem:$0x3FFC];
	_ =	sdelay $0x3  }
0x94: {  	_ =	strace s3  }
0x95: {  	s3 =	sld [smem:$0x3FFD];
	_ =	sdelay $0x3  }
0x96: {  	_ =	strace s3  }
0x97: {  	_ =	strace $0x8FFFFFFF  }
0x98: {  	s19 =	sld [smem:$0x3FDB];
	_ =	sdelay $0x1  }
0x99: {  	s4 =	simm.s32 $_scs_section_size  }
0x9a: {  	s5 =	simm.s32 $_size__tile_overlayer_lowered;
	s6 =	simm.s32 $_tile_overlayer_lowered  }
0x9b: {  	s22 =	simm.s32 $0x1BFF;
	s21 =	sshll.u32 s6, $0x1;
	s3 =	sadd.s32 s4, s19  }
0x9c: {  	s7 =	simm.s32 $0x0;
	s20 =	sshll.u32 s5, $0x1;
	s5 =	sadd.s32 s21, s3  }
0x9d: {  	[timem:s7], [sflag:s22] =	dma.local [hbm:s5], s20  }
0x9e: {  	_ =	swait.ge [sflag:s22], s20  }
0x9f: {  	s4 =	ssub.s32 $0x0, s20;
	[sflag:s22] =	ssyncset.done $0x0  }
0xa0: {  	[sflag:s22] =	ssyncadd.s32 s4;
	_ =	sdelay $0x1  }
0xa1: {  	s23 =	simm.s32 $0x1B8B  }
0xa2: {  	_ =	swait.ge [sflag:s23], $0x1  }
0xa3: {  	[sflag:s23] =	ssyncset.done $0x0  }
0xa4: {  	s25 =	simm.s32 $0x1B8E;
	s24 =	sld [smem:$0x3FFE];
	[sflag:s23] =	ssyncadd.s32 $0xFFFFFFFF  }
0xa5: {  	s26 =	simm.s32 $execute0_lowered;
	[smem:$0x3FD2] =	sst s25  }
0xa6: {  	s5 =	sshll.u32 s26, $0x1;
	_ =	strace $0x80000049;
	[dreg:$0x1] =	wrdreg $0xFFFFFFFF  }
0xa7: {  	s28 =	simm.s32 $_size_execute0_lowered;
	s3 =	sadd.s32 s3, s5;
	[dreg:$0x0] =	wrdreg $0x0  }
0xa8: {  	s5 =	sshll.u32 s28, $0x1;
	[dreg:$0x2] =	wrdreg s3  }
0xa9: {  	[dreg:$0x3] =	wrdreg s5  }
0xaa: {  	[dreg:$0x4] =	wrdreg $0xC0  }
0xab: {  	_ =	task [dreg:s7], $0x5FFFF  }
0xac: {  	[dreg:$0x1] =	wrdreg $0xFFFFFFFF  }
0xad: {  	[dreg:$0x0] =	wrdreg $0x60  }
0xae: {  	[dreg:$0x2] =	wrdreg s2  }
0xaf: {  	[dreg:$0x3] =	wrdreg s24  }
0xb0: {  	[dreg:$0x4] =	wrdreg $0x9  }
0xb1: {  	_ =	task.clear_ibuf [dreg:s7], $0x5FFFF;
	_ =	strace $0x90000049  }
0xb2: {  	s29 =	simm.s32 $0x9;
	_ =	strace $0x8000004B  }
0xb3: {  	_ =	swait.ge [sflag:s29], $0x1  }
0xb4: {  	[sflag:s29] =	ssyncadd.s32 $0xFFFFFFFF  }
0xb5: {  	_ =	strace $0x9000004B  }
0xb6: {  	_ =	sfence  }
0xb7: {  	s30 =	sld [smem:$0x0];
	_ =	sdelay $0x2  }
0xb8: {  	s31 =	sshll.u32 s1, $0xD;
	s1 =	sshrl.u32 s1, $0x2  }
0xb9: {  	s3 =	sand.u32 $0x4000, s31;
	s1 =	sadd.s32 s1, s30  }
0xba: {  	s0 =	sor.u32 s3, s0;
	s1 =	sshll.u32 s1, $0x11  }
0xbb: {  	s0 =	sor.u32 s1, s0  }
0xbc: {  	s0 =	sadd.s32 $0x8F2B, s0  }
0xbd: {  	[sflag:s0] =	ssyncadd.remote.s32 $0x1  }
0xbe: {  	_ =	sfence.sel $0xFFFF  }
0xbf: {  	[dreg:$0x0] =	wrdreg $0xFFFFFFFF;
	(pc) =	sbr.abs _section_cstart, $3  }
0xc0: {  	[dreg:$0x1] =	wrdreg $0xFFFFFFFF  }
0xc1: {  	_ =	task.clear_ibuf [dreg:s7], $0x2FFFF;
	_ =	strace $0x9FFFFFFF  }
0xc2: {  	(tm) =	ssettm $0x7FFFFFFF  }
0xc3: {  	_ =	shalt  }
tec
execute0_lowered:
.L_overlay_start_1:
0x0: {  	(tag) =	ssettag $0x1  }
0x1: {  	s5 =	rddreg [dreg:$0x0]  }
0x2: {  	s4 =	rddreg [dreg:$0x1]  }
0x3: {  	s0 =	rddreg [dreg:$0x2]  }
0x4: {  	s3 =	srdreg.scid;
	s1 =	stileid.u32  }
0x5: {  	s2 =	simm.s32 $0x0;
	s11 =	simm.s32 $0x6400;
	s12 =	simm.s32 $0xA400  }
0x6: {  	s13 =	simm.s32 $0x1;
	s14 =	simm.s32 $0xE400;
	s15 =	simm.s32 $0x2  }
0x7: {  	s16 =	simm.s32 $0x4;
	s3 =	sand.u32 $0x1, s3;
	s6 =	sshll.u32 s1, $0x1  }
0x8: {  	s17 =	simm.s32 $0x12400;
	s18 =	simm.s32 $0x3;
	s6 =	sor.u32 s3, s6  }
0x9: {  	s19 =	simm.s32 $0x0;
	[smem:$0x7FF] =	sst s2;
	s8 =	smul.u32 $0xC80, s6  }
.Ltmp0:
0xa: {  	_ =	strace $0x8000004A;
	s7 =	ssub.s32 $0x2, s3;
	(pc) =	sbr.rel .LBB2_1-.Ltmp0, $4  }
0xb: {  	s3 =	sadd.s32 $0xF43200, s4;
	s9 =	sshrl.u32 s7, $0x1;
	s10 =	smul.u32 $0x64000, s6  }
0xc: {  	s4 =	sadd.s32 $0xE00, s4;
	s6 =	smul.u32 $0x320000, s6;
	s7 =	ssub.s32 s7, s9  }
0xd: {  	s9 =	simm.s32 $0x5;
	s5 =	sadd.s32 s5, s8;
	s31 =	sadd.s32 s10, s4  }
0xe: {  	s7 =	smax.u32 s7, $0x1;
	s10 =	simm.s32 $0x80;
	s8 =	sadd.s32 $0x800, s31  }
.LBB2_12:
0xf: {  	s19 =	sadd.s32 $0x1, s19  }
0x10: {  	_ =	swait.ge [sflag:s18], $0x4000;
	p0 =	sne.s32 s19, s7  }
.Ltmp1:
0x11: {  	[sflag:s18] =	ssyncset.done $0x0;
	(pc) =	sbr.rel @!p0 .LBB2_13-.Ltmp1, $4  }
0x12: {  	[sflag:s18] =	ssyncadd.s32 $0xFFFFC000  }
0x13: {  	_ =	swait.ge [sflag:s16], $0x4000  }
0x14: {  	[sflag:s16] =	ssyncset.done $0x0  }
0x15: {  	[sflag:s16] =	ssyncadd.s32 $0xFFFFC000  }
.LBB2_1:
0x16: {  	[tilespmem:s2], [sflag:$0x5] =	stream.linear.gather [hbm4b:s5+s2], $0x6400, $0x38;
	[tilespmem:$0x16400] =	vst v63  }
0x17: {  	_ =	swait.ge [sflag:s9], $0x6400  }
0x18: {  	[sflag:s9] =	ssyncset.done $0x0  }
0x19: {  	[sflag:s9] =	ssyncadd.s32 $0xFFFF9C00  }
0x1a: {  	[tilespmem:s11], [sflag:$0x1] =	stream.indirect.gather [hbm4b:s3+s10], $0x80, s2, s10, $0xb8;
	[tilespmem:$0x16400] =	vst v63  }
0x1b: {  	s20 =	simm.s32 $0x0  }
0x1c: {  	[tilespmem:s12], [sflag:$0x2] =	stream.indirect.gather [hbm4b:s3+s10], $0x80, s10, s10, $0xb8;
	[tilespmem:$0x16400] =	vst v63  }
.LBB2_2:
0x1d: {  	_ =	swait.ge [sflag:s13], $0x4000  }
0x1e: {  	p0 =	seq.s32 s20, $0x0;
	[sflag:s13] =	ssyncset.done $0x0  }
0x1f: {  	s21 =	simm.s32 @!p0 $0x3;
	[sflag:s13] =	ssyncadd.s32 $0xFFFFC000  }
0x20: {  	_ =	swait.ge @!p0 [sflag:s21], $0x4000  }
0x21: {  	[sflag:s21] =	ssyncset.done @!p0 $0x0  }
0x22: {  	s22 =	simm.s32 $0x0;
	[sflag:s21] =	ssyncadd.s32 @!p0 $0xFFFFC000  }
0x23: {  	v0 =	vld [tilespmem:s22+$0x6430]  }
0x24: {  	v2 =	vld [tilespmem:s22+$0x64B0]  }
0x25: {  	v4 =	vld [tilespmem:s22+$0x6400]  }
0x26: {  	v1 =	vld [tilespmem:s22+$0x6431]  }
0x27: {  	v3 =	vld [tilespmem:s22+$0x64B1]  }
0x28: {  	v5 =	vld [tilespmem:s22+$0x6410];
	[tilespmem:s22+$0xE430] =	vst v0  }
0x29: {  	v6 =	vld [tilespmem:s22+$0x6420];
	[tilespmem:s22+$0xE4B0] =	vst v2  }
0x2a: {  	v7 =	vld [tilespmem:s22+$0x6480];
	[tilespmem:s22+$0xE400] =	vst v4  }
0x2b: {  	v0 =	vld [tilespmem:s22+$0x6490];
	[tilespmem:s22+$0xE431] =	vst v1  }
0x2c: {  	s23 =	simm.s32 $0x100;
	v4 =	vld [tilespmem:s22+$0x64A0];
	[tilespmem:s22+$0xE4B1] =	vst v3  }
0x2d: {  	v1 =	vld [tilespmem:s23+$0x6430];
	[tilespmem:s22+$0xE410] =	vst v5  }
0x2e: {  	v2 =	vld [tilespmem:s23+$0x6431];
	[tilespmem:s22+$0xE420] =	vst v6  }
0x2f: {  	s24 =	simm.s32 $0x800;
	s21 =	sshll.u32 s20, $0xA;
	v3 =	vld [tilespmem:s23+$0x64B0];
	[tilespmem:s22+$0xE480] =	vst v7  }
.LBB2_3:
0x30: {  	p1 =	sne.s32 s24, $0xFC00;
	v5 =	vld [tilespmem:s23+$0x64B1];
	[tilespmem:s22+$0xE490] =	vst v0  }
0x31: {  	v6 =	vld [tilespmem:s23+$0x6400];
	[tilespmem:s22+$0xE4A0] =	vst v4;
	s22 =	smov.u32 s23  }
0x32: {  	v7 =	vld [tilespmem:s22+$0x6410];
	[tilespmem:s22+$0xE430] =	vst v1  }
0x33: {  	v8 =	vld [tilespmem:s22+$0x6420];
	[tilespmem:s22+$0xE431] =	vst v2  }
0x34: {  	v9 =	vld [tilespmem:s22+$0x6480];
	[tilespmem:s22+$0xE4B0] =	vst v3  }
.Ltmp2:
0x35: {  	v0 =	vld [tilespmem:s22+$0x6490];
	[tilespmem:s22+$0xE4B1] =	vst v5;
	(pc) =	sbr.rel @p1 .LBB2_3-.Ltmp2, $4  }
0x36: {  	s23 =	sshra.s32 s24, $0x2;
	[tilespmem:s22+$0xE400] =	vst v6;
	v4 =	vld [tilespmem:s22+$0x64A0]  }
0x37: {  	v1 =	vld [tilespmem:s23+$0x6430];
	[tilespmem:s22+$0xE410] =	vst v7  }
0x38: {  	v2 =	vld [tilespmem:s23+$0x6431];
	[tilespmem:s22+$0xE420] =	vst v8  }
0x39: {  	s24 =	sadd.s32 $0x400, s24;
	v3 =	vld [tilespmem:s23+$0x64B0];
	[tilespmem:s22+$0xE480] =	vst v9  }
0x3a: {  	v5 =	vld [tilespmem:s23+$0x64B1];
	[tilespmem:s22+$0xE490] =	vst v0  }
0x3b: {  	v0 =	vld [tilespmem:s23+$0x6400];
	[tilespmem:s22+$0xE4A0] =	vst v4  }
0x3c: {  	v4 =	vld [tilespmem:s23+$0x6410];
	[tilespmem:s23+$0xE430] =	vst v1  }
0x3d: {  	v60 =	vld [tilespmem:s23+$0x6420];
	[tilespmem:s23+$0xE431] =	vst v2  }
0x3e: {  	v61 =	vld [tilespmem:s23+$0x6480];
	[tilespmem:s23+$0xE4B0] =	vst v3  }
0x3f: {  	v62 =	vld [tilespmem:s23+$0x6490];
	[tilespmem:s23+$0xE4B1] =	vst v5  }
0x40: {  	v63 =	vld [tilespmem:s23+$0x64A0];
	[tilespmem:s23+$0xE400] =	vst v0  }
0x41: {  	p1 =	sne.s32 s20, $0x63;
	[tilespmem:s23+$0xE410] =	vst v4  }
.Ltmp3:
0x42: {  	s31 =	sshll.u32 s20, $0xF;
	[tilespmem:s23+$0xE420] =	vst v60;
	(pc) =	sbr.rel @p1 .LBB2_6-.Ltmp3, $4  }
0x43: {  	s22 =	sadd.s32 s6, s31;
	[tilespmem:s23+$0xE480] =	vst v61  }
0x44: {  	s22 =	sshrl.u32 s22, $0x3;
	[tilespmem:s23+$0xE490] =	vst v62  }
0x45: {  	s22 =	sadd.s32 s4, s22;
	[tilespmem:s23+$0xE4A0] =	vst v63  }
0x46: {  	[hbm4b:s22+s2] =	stream.linear.scatter [tilespmem:s14], [sflag:$0x3], $0x4000, $0x38;
	[tilespmem:$0x16400] =	vst v63  }
.Ltmp4:
0x47: {  	(pc) =	sbr.rel .LBB2_7-.Ltmp4, $4  }
0x48: {  	_ = 	snop  }
0x49: {  	_ =	swait.ge [sflag:s15], $0x4000  }
0x4a: {  	[sflag:s15] =	ssyncset.done $0x0  }
0x4b: {  	[sflag:s15] =	ssyncadd.s32 $0xFFFFC000  }
.LBB2_6:
0x4c: {  	s22 =	sshrl.u32 s21, $0x2  }
.Ltmp5:
0x4d: {  	s22 =	sadd.s32 $0x100, s22;
	(pc) =	sbr.rel @p0 .LBB2_8-.Ltmp5, $4  }
0x4e: {  	[tilespmem:s11], [sflag:$0x1] =	stream.indirect.gather [hbm4b:s3+s10], $0x80, s22, s10, $0xb8;
	[tilespmem:$0x16400] =	vst v63  }
0x4f: {  	_ =	swait.ge [sflag:s15], $0x4000  }
0x50: {  	[sflag:s15] =	ssyncset.done $0x0  }
0x51: {  	[sflag:s15] =	ssyncadd.s32 $0xFFFFC000  }
.LBB2_7:
0x52: {  	_ =	swait.ge [sflag:s16], $0x4000  }
0x53: {  	[sflag:s16] =	ssyncset.done $0x0  }
0x54: {  	[sflag:s16] =	ssyncadd.s32 $0xFFFFC000  }
.LBB2_8:
0x55: {  	s22 =	simm.s32 $0x0  }
0x56: {  	v0 =	vld [tilespmem:s22+$0xA430]  }
0x57: {  	v2 =	vld [tilespmem:s22+$0xA4B0]  }
0x58: {  	v4 =	vld [tilespmem:s22+$0xA400]  }
0x59: {  	v1 =	vld [tilespmem:s22+$0xA431]  }
0x5a: {  	v3 =	vld [tilespmem:s22+$0xA4B1]  }
0x5b: {  	v5 =	vld [tilespmem:s22+$0xA410];
	[tilespmem:s22+$0x12430] =	vst v0  }
0x5c: {  	v6 =	vld [tilespmem:s22+$0xA420];
	[tilespmem:s22+$0x124B0] =	vst v2  }
0x5d: {  	v7 =	vld [tilespmem:s22+$0xA480];
	[tilespmem:s22+$0x12400] =	vst v4  }
0x5e: {  	v0 =	vld [tilespmem:s22+$0xA490];
	[tilespmem:s22+$0x12431] =	vst v1  }
0x5f: {  	s23 =	simm.s32 $0x100;
	v4 =	vld [tilespmem:s22+$0xA4A0];
	[tilespmem:s22+$0x124B1] =	vst v3  }
0x60: {  	v1 =	vld [tilespmem:s23+$0xA430];
	[tilespmem:s22+$0x12410] =	vst v5  }
0x61: {  	v2 =	vld [tilespmem:s23+$0xA431];
	[tilespmem:s22+$0x12420] =	vst v6  }
0x62: {  	s24 =	simm.s32 $0x800;
	v3 =	vld [tilespmem:s23+$0xA4B0];
	[tilespmem:s22+$0x12480] =	vst v7  }
.LBB2_9:
0x63: {  	p0 =	sne.s32 s24, $0xFC00;
	v5 =	vld [tilespmem:s23+$0xA4B1];
	[tilespmem:s22+$0x12490] =	vst v0  }
0x64: {  	v6 =	vld [tilespmem:s23+$0xA400];
	[tilespmem:s22+$0x124A0] =	vst v4;
	s22 =	smov.u32 s23  }
0x65: {  	v7 =	vld [tilespmem:s22+$0xA410];
	[tilespmem:s22+$0x12430] =	vst v1  }
0x66: {  	v8 =	vld [tilespmem:s22+$0xA420];
	[tilespmem:s22+$0x12431] =	vst v2  }
0x67: {  	v9 =	vld [tilespmem:s22+$0xA480];
	[tilespmem:s22+$0x124B0] =	vst v3  }
.Ltmp6:
0x68: {  	v0 =	vld [tilespmem:s22+$0xA490];
	[tilespmem:s22+$0x124B1] =	vst v5;
	(pc) =	sbr.rel @p0 .LBB2_9-.Ltmp6, $4  }
0x69: {  	s23 =	sshra.s32 s24, $0x2;
	[tilespmem:s22+$0x12400] =	vst v6;
	v4 =	vld [tilespmem:s22+$0xA4A0]  }
0x6a: {  	v1 =	vld [tilespmem:s23+$0xA430];
	[tilespmem:s22+$0x12410] =	vst v7  }
0x6b: {  	v2 =	vld [tilespmem:s23+$0xA431];
	[tilespmem:s22+$0x12420] =	vst v8  }
0x6c: {  	s24 =	sadd.s32 $0x400, s24;
	v3 =	vld [tilespmem:s23+$0xA4B0];
	[tilespmem:s22+$0x12480] =	vst v9  }
0x6d: {  	v5 =	vld [tilespmem:s23+$0xA4B1];
	[tilespmem:s22+$0x12490] =	vst v0  }
0x6e: {  	v0 =	vld [tilespmem:s23+$0xA400];
	[tilespmem:s22+$0x124A0] =	vst v4  }
0x6f: {  	v4 =	vld [tilespmem:s23+$0xA410];
	[tilespmem:s23+$0x12430] =	vst v1  }
0x70: {  	v60 =	vld [tilespmem:s23+$0xA420];
	[tilespmem:s23+$0x12431] =	vst v2  }
0x71: {  	v61 =	vld [tilespmem:s23+$0xA480];
	[tilespmem:s23+$0x124B0] =	vst v3  }
0x72: {  	v62 =	vld [tilespmem:s23+$0xA490];
	[tilespmem:s23+$0x124B1] =	vst v5  }
0x73: {  	v63 =	vld [tilespmem:s23+$0xA4A0];
	[tilespmem:s23+$0x12400] =	vst v0  }
0x74: {  	p0 =	seq.s32 s20, $0x63;
	[tilespmem:s23+$0x12410] =	vst v4  }
.Ltmp7:
0x75: {  	[tilespmem:s23+$0x12420] =	vst v60;
	(pc) =	sbr.rel @p0 .LBB2_12-.Ltmp7, $4  }
0x76: {  	[tilespmem:s23+$0x12480] =	vst v61  }
0x77: {  	s31 =	sshll.u32 s20, $0xC;
	[tilespmem:s23+$0x12490] =	vst v62  }
0x78: {  	s22 =	sadd.s32 s8, s31;
	[tilespmem:s23+$0x124A0] =	vst v63  }
0x79: {  	[hbm4b:s22+s2] =	stream.linear.scatter [tilespmem:s17], [sflag:$0x4], $0x4000, $0x38;
	[tilespmem:$0x16400] =	vst v63  }
.Ltmp8:
0x7a: {  	(pc) =	sbr.rel .LBB2_2-.Ltmp8, $4  }
0x7b: {  	_ = 	snop  }
0x7c: {  	s21 =	sshrl.u32 s21, $0x2  }
0x7d: {  	s20 =	sadd.s32 $0x1, s20;
	s21 =	sadd.s32 $0x180, s21  }
0x7e: {  	[tilespmem:s12], [sflag:$0x2] =	stream.indirect.gather [hbm4b:s3+s10], $0x80, s21, s10, $0xb8;
	[tilespmem:$0x16400] =	vst v63  }
.LBB2_13:
0x7f: {  	_ =	sfence.sel $0x180000  }
0x80: {  	[bflag:$0x0] =	sbarrier.arrive $0xFFFF  }
0x81: {  	p0 =	sne.s32 s1, $0x0;
	_ =	strace $0x9000004A  }
0x82: {  	s0 =	sadd.s32 @!p0 $0x100000, s0;
	[bflag:$0x2] =	sbarrier.arrive $0xFFFF  }
0x83: {  	[sflag:s0] =	ssyncadd.tile.s32 @!p0 $0x1;
	_ =	shalt  }
.Lfunc_end2:
_tile_overlayer_lowered:
.L_overlay_start_2:
0x84: {  	(tag) =	ssettag $0x2  }
0x85: {  	s0 =	rddreg [dreg:$0x0];
	s2 =	stileid.u32  }
0x86: {  	s1 =	rddreg [dreg:$0x1];
	p0 =	sne.s32 s2, $0x0  }
0x87: {  	s3 =	rddreg [dreg:$0x2];
	[bflag:$0x3] =	sbarrier.arrive $0xFFFF;
	s2 =	simm.s32 @!p0 $0x1C05  }
0x88: {  	[timem:s3], [sflag:s2] =	dma.local @!p0 [hbm:s0], s1  }
0x89: {  	s0 =	simm.s32 @!p0 $0x5  }
0x8a: {  	_ =	swait.ge @!p0 [sflag:s0], s1  }
0x8b: {  	s1 =	ssub.s32 @!p0 $0x0, s1;
	[sflag:s0] =	ssyncset.done @!p0 $0x0  }
0x8c: {  	[sflag:s0] =	ssyncadd.s32 @!p0 s1  }
0x8d: {  	[bflag:$0x3] =	sbarrier.arrive $0xFFFF  }
0x8e: {  	_ =	shalt  }

// kernel: sparse-core-data-format-call.cloned.1.call-start
scs
called_computation_lowered:
.L_overlay_start_0:
0x0: {  	s2 =	sld [smem:$0x3FD9]  }
0x1: {  	s3 =	sld [smem:$0x3FFE];
	_ =	sdelay $0x1  }
0x2: {  	s1 =	srdreg.scid  }
0x3: {  	s0 =	sand.u32 $0x1, s1  }
0x4: {  	s18 =	sshll.u32 s0, $0xA;
	s2 =	sadd.s32 s3, s2  }
0x5: {  	s2 =	sadd.s32 s2, s18  }
0x6: {  	[smem:$0x3FC6] =	sst s2  }
0x7: {  	_ = 	snop  }
0x8: {  	s2 =	sld [smem:$0x3FD0];
	(tm) =	ssettm $0x1  }
0x9: {  	s19 =	sld [smem:$0x3FFB];
	_ =	sdelay $0x3  }
0xa: {  	_ =	strace s19  }
0xb: {  	s3 =	sld [smem:$0x3FFC];
	_ =	sdelay $0x3  }
0xc: {  	_ =	strace s3  }
0xd: {  	s3 =	sld [smem:$0x3FFD];
	_ =	sdelay $0x3  }
0xe: {  	_ =	strace s3  }
0xf: {  	_ =	strace $0x8FFFFFFF  }
0x10: {  	s20 =	sld [smem:$0x3FDB];
	_ =	sdelay $0x1  }
0x11: {  	s4 =	simm.s32 $_scs_section_size  }
0x12: {  	s5 =	simm.s32 $_size__tile_overlayer_lowered;
	s6 =	simm.s32 $_tile_overlayer_lowered  }
0x13: {  	s23 =	simm.s32 $0x1BFF;
	s22 =	sshll.u32 s6, $0x1;
	s3 =	sadd.s32 s4, s20  }
0x14: {  	s7 =	simm.s32 $0x0;
	s21 =	sshll.u32 s5, $0x1;
	s5 =	sadd.s32 s22, s3  }
0x15: {  	[timem:s7], [sflag:s23] =	dma.local [hbm:s5], s21  }
0x16: {  	_ =	swait.ge [sflag:s23], s21  }
0x17: {  	s4 =	ssub.s32 $0x0, s21;
	[sflag:s23] =	ssyncset.done $0x0  }
0x18: {  	[sflag:s23] =	ssyncadd.s32 s4;
	_ =	sdelay $0x1  }
0x19: {  	s24 =	simm.s32 $0x1B8B  }
0x1a: {  	_ =	swait.ge [sflag:s24], $0x1  }
0x1b: {  	[sflag:s24] =	ssyncset.done $0x0  }
0x1c: {  	s26 =	simm.s32 $0x1B8E;
	s25 =	sld [smem:$0x3FFE];
	[sflag:s24] =	ssyncadd.s32 $0xFFFFFFFF  }
0x1d: {  	s27 =	simm.s32 $execute0_lowered;
	[smem:$0x3FD2] =	sst s26  }
0x1e: {  	s5 =	sshll.u32 s27, $0x1;
	_ =	strace $0x8000004C;
	[dreg:$0x1] =	wrdreg $0xFFFFFFFF  }
0x1f: {  	s28 =	simm.s32 $_size_execute0_lowered;
	s3 =	sadd.s32 s3, s5;
	[dreg:$0x0] =	wrdreg $0x0  }
0x20: {  	s5 =	sshll.u32 s28, $0x1;
	[dreg:$0x2] =	wrdreg s3  }
0x21: {  	[dreg:$0x3] =	wrdreg s5  }
0x22: {  	[dreg:$0x4] =	wrdreg $0xC0  }
0x23: {  	_ =	task [dreg:s7], $0x5FFFF  }
0x24: {  	[dreg:$0x1] =	wrdreg $0xFFFFFFFF  }
0x25: {  	[dreg:$0x0] =	wrdreg $0x60  }
0x26: {  	[dreg:$0x2] =	wrdreg s25  }
0x27: {  	[dreg:$0x3] =	wrdreg s2  }
0x28: {  	[dreg:$0x4] =	wrdreg $0x9  }
0x29: {  	_ =	task.clear_ibuf [dreg:s7], $0x5FFFF;
	_ =	strace $0x9000004C  }
0x2a: {  	s29 =	simm.s32 $0x9;
	_ =	strace $0x8000004E  }
0x2b: {  	_ =	swait.ge [sflag:s29], $0x1  }
0x2c: {  	[sflag:s29] =	ssyncadd.s32 $0xFFFFFFFF  }
0x2d: {  	_ =	strace $0x9000004E  }
0x2e: {  	_ =	sfence  }
0x2f: {  	s30 =	sld [smem:$0x0];
	_ =	sdelay $0x2  }
0x30: {  	s31 =	sshll.u32 s1, $0xD;
	s1 =	sshrl.u32 s1, $0x2  }
0x31: {  	s3 =	sand.u32 $0x4000, s31;
	s1 =	sadd.s32 s1, s30  }
0x32: {  	s0 =	sor.u32 s3, s0;
	s1 =	sshll.u32 s1, $0x11  }
0x33: {  	s0 =	sor.u32 s1, s0  }
0x34: {  	s0 =	sadd.s32 $0x8F2B, s0  }
0x35: {  	[sflag:s0] =	ssyncadd.remote.s32 $0x1  }
0x36: {  	_ =	sfence.sel $0xFFFF  }
0x37: {  	[dreg:$0x0] =	wrdreg $0xFFFFFFFF;
	(pc) =	sbr.abs _section_cstart, $3  }
0x38: {  	[dreg:$0x1] =	wrdreg $0xFFFFFFFF  }
0x39: {  	_ =	task.clear_ibuf [dreg:s7], $0x2FFFF;
	_ =	strace $0x9FFFFFFF  }
0x3a: {  	(tm) =	ssettm $0x7FFFFFFF  }
0x3b: {  	_ =	shalt  }
tec
execute0_lowered:
.L_overlay_start_1:
0x0: {  	(tag) =	ssettag $0x1  }
0x1: {  	s0 =	srdreg.scid  }
0x2: {  	s1 =	sshll.u32 s0, $0x4  }
0x3: {  	s6 =	rddreg [dreg:$0x0];
	s0 =	stileid.u32;
	s1 =	sand.u32 $0x10, s1  }
0x4: {  	s3 =	rddreg [dreg:$0x1];
	s1 =	sor.u32 s0, s1  }
0x5: {  	s5 =	simm.s32 $0x1;
	s31 =	simm.s32 $0x2;
	s2 =	sshll.u32 s1, $0x7  }
0x6: {  	s15 =	simm.s32 $0x0;
	s8 =	simm.s32 $0xC8000;
	s4 =	ssub.s32 $0x1000, s2  }
0x7: {  	s14 =	simm.s32 $0x0;
	s9 =	simm.s32 $0x0;
	s30 =	sand.u32 $0xF80, s4  }
0x8: {  	s10 =	simm.s32 $0x0;
	s11 =	simm.s32 $0x0;
	p0 =	sne.s32 s30, $0x0  }
.Ltmp0:
0x9: {  	s7 =	sshrl.u32 s4, $0xC;
	s5 =	simm.s32 @!p0 $0x0;
	(pc) =	sbr.rel .LBB1_1-.Ltmp0, $4  }
0xa: {  	s13 =	simm.s32 $0x0;
	s1 =	rddreg [dreg:$0x2];
	s5 =	sadd.s32 s5, s7  }
0xb: {  	_ =	strace $0x8000004D;
	s4 =	simm.s32 $0x1;
	s5 =	smul.u32 $0xC8, s5  }
0xc: {  	s6 =	sadd.s32 $0xE00, s6;
	s12 =	smov.u32 s2;
	[sflag:s4] =	ssyncpa.u1 $0x0  }
0xd: {  	[sflag:s31] =	ssyncpa.u1 $0x0;
	p0 =	por $0x0, $0x0;
	s7 =	sor.u32 $0x1, s5  }
.LBB1_4:
0xe: {  	s20 =	sshra.s32 s20, $0x2;
	s27 =	sshll.u32 s9, $0xC  }
0xf: {  	s21 =	sand.u32 $0x78, s10;
	s22 =	sshll.u32 s10, $0x3;
	s24 =	sshll.u32 s9, $0x7  }
0x10: {  	p1 =	sgt.s32 s9, $0xC7;
	s30 =	sshra.s32 s9, $0x1F;
	s25 =	sshra.s32 s10, $0x1F  }
0x11: {  	s19 =	sadd.s32 s20, s19;
	s20 =	sand.u32 $0xFFFF8000, s27;
	s23 =	sand.u32 $0xFFFFFC00, s22  }
0x12: {  	v5 =	vld [tilespmem:s17+$0xFFFFFFD0];
	[tilespmem:s18+$0x2040 ss:$0x81] =	vst.msk $0xffff, v4;
	s22 =	sand.u32 $0xC00, s22;
	s28 =	sand.u32 $0x380, s24;
	s31 =	sand.u32 s30, s9  }
0x13: {  	v58 =	vld [tilespmem:s17+$0xFFFFFFE0];
	[tilespmem:s18+$0x2850 ss:$0x81] =	vst.msk $0xffff, v3;
	s24 =	smov.u32 s10;
	s25 =	sand.u32 s25, s10;
	s20 =	sadd.s32 s23, s20  }
0x14: {  	v59 =	vld [tilespmem:s17+$0xFFFFFFF0];
	[tilespmem:s18+$0x3060 ss:$0x81] =	vst.msk $0xffff, v2;
	s21 =	sor.u32 s21, s22;
	s22 =	smov.u32 s9;
	s20 =	sshrl.u32 s20, $0xC  }
0x15: {  	v60 =	vld [tilespmem:s17+$0x0];
	[tilespmem:s18+$0x0 ss:$0x81] =	vst.msk $0xffff, v1;
	s22 =	simm.s32 @!p1 $0xC7;
	p1 =	sgt.s32 s10, $0xF80;
	s29 =	smulhi.u32 $0x147AE15, s20  }
0x16: {  	v61 =	vld [tilespmem:s17+$0x10];
	[tilespmem:s19+$0x3870 ss:$0x81] =	vst.msk $0xffff, v0;
	s21 =	sor.u32 s28, s21;
	s18 =	ssub.s32 s22, s31;
	s24 =	simm.s32 @!p1 $0xF80  }
0x17: {  	v62 =	vld [tilespmem:s17+$0x20];
	[tilespmem:s19+$0x810 ss:$0x81] =	vst.msk $0xffff, v5;
	s22 =	ssub.s32 s24, s25;
	s26 =	ssub.s32 $0xC8, s18;
	s23 =	smul.u32 $0xC8, s29  }
0x18: {  	v63 =	vld [tilespmem:s17+$0xFFFFFFC0];
	[tilespmem:s19+$0x1020 ss:$0x81] =	vst.msk $0xffff, v58;
	s27 =	sadd.s32 $0xFFFFFF39, s18;
	s18 =	smul.u32 $0x41, s26;
	s28 =	sadd.s32 $0xFFFFF080, s22  }
0x19: {  	[tilespmem:s19+$0x1830 ss:$0x81] =	vst.msk $0xffff, v59;
	p1 =	sgt.s32 s27, $0x0;
	s17 =	ssub.s32 $0x1000, s22;
	p2 =	sgt.s32 s28, $0x7F  }
0x1a: {  	s30 =	sand.u32 $0x7, s10;
	[tilespmem:s19+$0x2040 ss:$0x81] =	vst.msk $0xffff, v60;
	s18 =	simm.s32 @p1 $0x0;
	s17 =	simm.s32 @p2 $0x0  }
0x1b: {  	[tilespmem:s19+$0x2850 ss:$0x81] =	vst.msk $0xffff, v61;
	s29 =	sshrl.u32 s21, $0x3;
	s20 =	ssub.s32 s20, s23;
	s17 =	smul.u32 s17, s18  }
0x1c: {  	[tilespmem:s19+$0x3060 ss:$0x81] =	vst.msk $0xffff, v62;
	s21 =	sshll.u32 s30, $0x12;
	s20 =	sshll.u32 s20, $0x9;
	s18 =	sadd.s32 s3, s29  }
0x1d: {  	[tilespmem:s19+$0x0 ss:$0x81] =	vst.msk $0xffff, v63;
	s31 =	sor.u32 $0x80, s21;
	s18 =	sadd.s32 s20, s18;
	s17 =	sand.u32 $0x3FFFFFFF, s17  }
0x1e: {  	[hbm4b:s18+s31] =	stream.strided.scatter [tilespmem:s16], [sflag:$0x2], s17, s8, s31, $0x20;
	[tilespmem:$0x10100] =	vst v63  }
.LBB1_5:
0x1f: {  	p1 =	slt.u32 s13, $0x2  }
0x20: {  	s17 =	smov.u32 s15;
	p2 =	sgt.s32 @!p1 s15, $0xC7;
	s16 =	sshra.s32 @!p1 s15, $0x1F  }
0x21: {  	p3 =	sgt.s32 @!p1 s14, $0xF80;
	s18 =	sshra.s32 @!p1 s14, $0x1F;
	p2 =	por !p2, p1  }
0x22: {  	s15 =	sand.u32 @!p1 s16, s15;
	p3 =	por !p3, p1;
	s16 =	smov.u32 s14  }
0x23: {  	s14 =	sand.u32 @!p1 s18, s14;
	s17 =	simm.s32 @p2 $0xC7;
	s16 =	simm.s32 @p3 $0xF80  }
0x24: {  	s18 =	smov.u32 s12;
	s15 =	ssub.s32 @!p1 s17, s15;
	s14 =	ssub.s32 @!p1 s16, s14  }
0x25: {  	s16 =	sadd.s32 @!p1 $0xFFFFFF39, s15;
	s15 =	ssub.s32 @!p1 $0xC8, s15;
	s17 =	sadd.s32 @!p1 $0xFFFFF080, s14  }
0x26: {  	p2 =	sgt.s32 @!p1 s16, $0x0;
	s15 =	smul.u32 @!p1 $0x41, s15;
	p3 =	sgt.s32 @!p1 s17, $0x7F  }
0x27: {  	s14 =	ssub.s32 @!p1 $0x1000, s14;
	p2 =	por !p2, p1;
	p3 =	por !p3, p1  }
0x28: {  	s16 =	sadd.s32 $0x1, s11;
	s15 =	simm.s32 @!p2 $0x0;
	s14 =	simm.s32 @!p3 $0x0  }
0x29: {  	p2 =	sgt.s32 s16, $0xC7;
	s14 =	smul.u32 @!p1 s14, s15;
	s15 =	sadd.s32 $0x1000, s12  }
0x2a: {  	s18 =	smov.u32 @p2 s15  }
0x2b: {  	s16 =	simm.s32 @p2 $0x0;
	p2 =	sgt.s32 s18, $0xFFF  }
0x2c: {  	s18 =	smov.u32 @p2 s2;
	p2 =	sne.s32 s13, s7  }
.Ltmp1:
0x2d: {  	p0 =	por !p0, !p0;
	s17 =	simm.s32 @!p1 $0x2;
	(pc) =	sbr.rel @!p2 .LBB1_6-.Ltmp1, $4  }
0x2e: {  	s15 =	smov.u32 s9;
	s9 =	smov.u32 s11;
	s14 =	sand.u32 @!p1 $0x3FFFFFFF, s14  }
0x2f: {  	s11 =	smov.u32 s16;
	_ =	swait.ge @!p1 [sflag:s17], s14;
	s19 =	ssub.s32 @!p1 $0x0, s14  }
0x30: {  	s14 =	smov.u32 s10;
	s13 =	sadd.s32 $0x1, s13;
	[sflag:s17] =	ssyncset.done @!p1 $0x0  }
0x31: {  	s10 =	smov.u32 s12;
	s12 =	smov.u32 s18;
	[sflag:s17] =	ssyncadd.s32 @!p1 s19  }
.LBB1_1:
0x32: {  	p1 =	sge.u32 s13, s5  }
0x33: {  	s16 =	sand.u32 @!p1 $0x1FFFFFF, s11  }
0x34: {  	s17 =	smulhi.u32 @!p1 $0x147AE15, s16;
	_ =	sdelay $0x1  }
0x35: {  	s17 =	smul.u32 @!p1 $0xC8, s17  }
0x36: {  	s18 =	sxor.u32 @!p1 $0xFFFFFFFF, s13;
	s19 =	smul.u32 @!p1 $0xC80, s12  }
0x37: {  	s31 =	sadd.s32 $0xFFFFFFFF, s13;
	s18 =	sshll.u32 @!p1 s18, $0xE;
	s16 =	ssub.s32 @!p1 s16, s17  }
0x38: {  	s17 =	sand.u32 @!p1 $0x4000, s18;
	s18 =	sadd.s32 @!p1 s6, s19;
	s16 =	sshll.u32 @!p1 s16, $0x4  }
0x39: {  	s19 =	simm.s32 @!p1 $0x6400;
	s16 =	sadd.s32 @!p1 s16, s18;
	s18 =	simm.s32 @!p1 $0x80  }
0x3a: {  	[tilespmem:s17], [sflag:$0x1] =	stream.strided.gather @!p1 [hbm4b:s16+s18], $0x4000, s19, s18, $0x38;
	[tilespmem:$0x10100] =	vst v63  }
0x3b: {  	p1 =	sge.u32 s31, s5  }
.Ltmp2:
0x3c: {  	_ = 	snop;
	(pc) =	sbr.rel @p1 .LBB1_5-.Ltmp2, $1  }
0x3d: {  	_ =	sdelay $0x3  }
0x3e: {  	s16 =	simm.s32 $0x1  }
0x3f: {  	_ =	swait.ge [sflag:s4], $0x4000;
	s16 =	simm.s32 @!p0 $0x0  }
0x40: {  	[sflag:s4] =	ssyncset.done $0x0;
	s17 =	sshll.u32 s16, $0xE  }
0x41: {  	[sflag:s4] =	ssyncadd.s32 $0xFFFFC000;
	s17 =	sor.u32 $0x40, s17  }
0x42: {  	s16 =	smul.u32 $0x10200, s16;
	v0 =	vld [tilespmem:s17+$0x30]  }
0x43: {  	v1 =	vld [tilespmem:s17+$0xFFFFFFD0]  }
0x44: {  	s16 =	sshrl.u32 s16, $0x2;
	v5 =	vld [tilespmem:s17+$0xFFFFFFE0]  }
0x45: {  	v6 =	vld [tilespmem:s17+$0xFFFFFFF0];
	s19 =	sor.u32 $0x8000, s16  }
0x46: {  	s31 =	sand.u32 $0x1, s13;
	v4 =	vld [tilespmem:s17+$0x0];
	s18 =	sadd.s32 $0x0, s19  }
0x47: {  	v3 =	vld [tilespmem:s17+$0x10];
	s16 =	smul.u32 $0x10200, s31;
	[tilespmem:s18+$0x3870 ss:$0x81] =	vst.msk $0xffff, v0  }
0x48: {  	v2 =	vld [tilespmem:s17+$0x20];
	[tilespmem:s18+$0x810 ss:$0x81] =	vst.msk $0xffff, v1  }
0x49: {  	s16 =	sshrl.u32 s16, $0x2;
	v1 =	vld [tilespmem:s17+$0xFFFFFFC0];
	[tilespmem:s18+$0x1020 ss:$0x81] =	vst.msk $0xffff, v5;
	s17 =	sadd.s32 $0x80, s17  }
0x4a: {  	s20 =	simm.s32 $0x4;
	s21 =	simm.s32 $0x8;
	s16 =	sor.u32 $0x8000, s16;
	[tilespmem:s18+$0x1830 ss:$0x81] =	vst.msk $0xffff, v6;
	v0 =	vld [tilespmem:s17+$0x30]  }
.LBB1_3:
0x4b: {  	p1 =	sne.s32 s21, $0x1FC;
	v5 =	vld [tilespmem:s17+$0xFFFFFFD0];
	[tilespmem:s18+$0x2040 ss:$0x81] =	vst.msk $0xffff, v4  }
0x4c: {  	v6 =	vld [tilespmem:s17+$0xFFFFFFE0];
	[tilespmem:s18+$0x2850 ss:$0x81] =	vst.msk $0xffff, v3  }
0x4d: {  	s22 =	sshra.s32 s20, $0x2;
	s20 =	smov.u32 s21;
	v7 =	vld [tilespmem:s17+$0xFFFFFFF0];
	[tilespmem:s18+$0x3060 ss:$0x81] =	vst.msk $0xffff, v2  }
.Ltmp3:
0x4e: {  	v4 =	vld [tilespmem:s17+$0x0];
	[tilespmem:s18+$0x0 ss:$0x81] =	vst.msk $0xffff, v1;
	s18 =	sadd.s32 s22, s19;
	(pc) =	sbr.rel @p1 .LBB1_3-.Ltmp3, $4  }
0x4f: {  	v3 =	vld [tilespmem:s17+$0x10];
	[tilespmem:s18+$0x3870 ss:$0x81] =	vst.msk $0xffff, v0  }
0x50: {  	[tilespmem:s18+$0x810 ss:$0x81] =	vst.msk $0xffff, v5;
	v2 =	vld [tilespmem:s17+$0x20]  }
0x51: {  	v1 =	vld [tilespmem:s17+$0xFFFFFFC0];
	[tilespmem:s18+$0x1020 ss:$0x81] =	vst.msk $0xffff, v6;
	s17 =	sadd.s32 $0x80, s17  }
0x52: {  	s21 =	sadd.s32 $0x4, s21;
	v0 =	vld [tilespmem:s17+$0x30];
	[tilespmem:s18+$0x1830 ss:$0x81] =	vst.msk $0xffff, v7  }
.Ltmp4:
0x53: {  	_ = 	snop;
	(pc) =	sbr.rel .LBB1_4-.Ltmp4, $1  }
0x54: {  	_ =	sdelay $0x3  }
.LBB1_6:
0x55: {  	_ =	sfence.sel $0x180000  }
0x56: {  	s2 =	simm.s32 $0x1;
	[bflag:$0x0] =	sbarrier.arrive $0xFFFF  }
0x57: {  	s31 =	simm.s32 $0x2;
	[sflag:s2] =	ssyncpa.u1 $0x1  }
0x58: {  	[sflag:s31] =	ssyncpa.u1 $0x1  }
0x59: {  	p0 =	sne.s32 s0, $0x0;
	_ =	strace $0x9000004D  }
0x5a: {  	s0 =	sadd.s32 @!p0 $0x100000, s1;
	[bflag:$0x2] =	sbarrier.arrive $0xFFFF  }
0x5b: {  	[sflag:s0] =	ssyncadd.tile.s32 @!p0 $0x1;
	_ =	shalt  }
.Lfunc_end1:
_tile_overlayer_lowered:
.L_overlay_start_2:
0x5c: {  	(tag) =	ssettag $0x2  }
0x5d: {  	s0 =	rddreg [dreg:$0x0];
	s2 =	stileid.u32  }
0x5e: {  	s1 =	rddreg [dreg:$0x1];
	p0 =	sne.s32 s2, $0x0  }
0x5f: {  	s3 =	rddreg [dreg:$0x2];
	[bflag:$0x3] =	sbarrier.arrive $0xFFFF;
	s2 =	simm.s32 @!p0 $0x1C01  }
0x60: {  	[timem:s3], [sflag:s2] =	dma.local @!p0 [hbm:s0], s1  }
0x61: {  	s0 =	simm.s32 @!p0 $0x1  }
0x62: {  	_ =	swait.ge @!p0 [sflag:s0], s1  }
0x63: {  	s1 =	ssub.s32 @!p0 $0x0, s1;
	[sflag:s0] =	ssyncset.done @!p0 $0x0  }
0x64: {  	[sflag:s0] =	ssyncadd.s32 @!p0 s1  }
0x65: {  	[bflag:$0x3] =	sbarrier.arrive $0xFFFF  }
0x66: {  	_ =	shalt  }

</sc_bundles>
